<compile_context>
chip_gen: v7x
topology: tpu7x:2x2x1
jax: 0.10.2.dev20260603
libtpu: 0.0.44.dev20260713+nightly
codegen_flags: <defaults>
</compile_context>

<pallas_src>
import functools

import jax
import jax.numpy as jnp
from jax import lax
from jax.experimental import pallas as pl
from jax.experimental.pallas import tpu as pltpu
from jax.experimental.pallas import tpu_sc as plsc

_N = 10000
_E = 320000
_D = 128
_H = 64

_NC = 2
_NS = 16
_NW = _NC * _NS
_EP = _E // _NW
_C = 80
_NCH = _EP // _C
_RP = 632


def _make_sc_agg(with_deg: bool, width: int = _H):
    mesh = plsc.VectorSubcoreMesh(core_axis_name="c", subcore_axis_name="s")
    out_type = [jax.ShapeDtypeStruct((_NC, _N, width), jnp.float32)]
    scratch = [
        pltpu.VMEM((_NCH, _C), jnp.int32),
        pltpu.VMEM((_NCH, _C), jnp.int32),
        pltpu.VMEM((_C, width), jnp.float32),
        pltpu.VMEM((_C, width), jnp.float32),
        pltpu.VMEM_SHARED((_N, width), jnp.float32),
        pltpu.SemaphoreType.DMA,
        pltpu.SemaphoreType.DMA,
    ]
    if with_deg:
        out_type.append(jax.ShapeDtypeStruct((_N,), jnp.float32))
        out_type.append(jax.ShapeDtypeStruct((_N,), jnp.float32))
        scratch += [
            pltpu.VMEM((_C,), jnp.float32),
            pltpu.VMEM_SHARED((_N,), jnp.float32),
            pltpu.VMEM((1000,), jnp.float32),
        ]
    out_type = tuple(out_type) if with_deg else out_type[0]

    @functools.partial(
        pl.kernel, mesh=mesh, out_type=out_type, scratch_types=scratch,
        compiler_params=pltpu.CompilerParams(use_tc_tiling_on_sc=False),
    )
    def sc_agg(y_hbm, src_hbm, dst_hbm, zrow_hbm, z1k_hbm, *rest):
        if with_deg:
            (out_hbm, deg0_hbm, deg1_hbm, src_v, dst_v, rows0_v, rows1_v,
             acc_sh, sem0, sem1, ones_v, deg_sh, stage_v) = rest
        else:
            (out_hbm, src_v, dst_v, rows0_v, rows1_v, acc_sh,
             sem0, sem1) = rest
        c = lax.axis_index("c")
        s = lax.axis_index("s")
        gid = c * _NS + s

        r0 = pl.multiple_of(jnp.minimum(s * _RP, _N - _RP), 8)
        d0 = pl.multiple_of(s * 1000, 8)

        pltpu.sync_copy(zrow_hbm, acc_sh.at[pl.ds(r0, _RP)])
        if with_deg:
            @pl.when(s < 10)
            def _():
                pltpu.sync_copy(z1k_hbm, stage_v)
                pltpu.sync_copy(stage_v, deg_sh.at[pl.ds(d0, 1000)])
            for j in range(_C // 16):
                ones_v[pl.ds(j * 16, 16)] = jnp.ones((16,), jnp.float32)
        plsc.subcore_barrier()

        pltpu.sync_copy(src_hbm.at[gid], src_v)
        pltpu.sync_copy(dst_hbm.at[gid], dst_v)

        bufs = (rows0_v, rows1_v)
        sems = (sem0, sem1)

        def gather(j, k):
            pltpu.async_copy(y_hbm.at[src_v.at[j]], bufs[k], sems[k])

        def gwait(k):
            pltpu.make_async_copy(y_hbm.at[src_v.at[0]], bufs[k],
                                  sems[k]).wait()

        def scat(j, k):
            pltpu.sync_copy(bufs[k], acc_sh.at[dst_v.at[j]], add=True)
            if with_deg:
                pltpu.sync_copy(ones_v, deg_sh.at[dst_v.at[j]], add=True)

        gather(0, 0)

        def pair(g, carry):
            j = g * 2
            gwait(0)
            gather(j + 1, 1)
            scat(j, 0)
            gwait(1)
            gather(j + 2, 0)
            scat(j + 1, 1)
            return carry

        lax.fori_loop(0, (_NCH - 1) // 2, pair, 0)
        gwait(0)
        scat(_NCH - 1, 0)
        plsc.subcore_barrier()

        pltpu.sync_copy(acc_sh.at[pl.ds(r0, _RP)], out_hbm.at[c, pl.ds(r0, _RP)])
        if with_deg:
            @pl.when(s < 10)
            def _():
                pltpu.sync_copy(deg_sh.at[pl.ds(d0, 1000)], stage_v)

                @pl.when(c == 0)
                def _():
                    pltpu.sync_copy(stage_v, deg0_hbm.at[pl.ds(d0, 1000)])

                @pl.when(c == 1)
                def _():
                    pltpu.sync_copy(stage_v, deg1_hbm.at[pl.ds(d0, 1000)])

    return sc_agg


_sc_agg_deg = _make_sc_agg(with_deg=True, width=_D)
_sc_agg = _make_sc_agg(with_deg=False, width=_H)


def _softmax(t):
    t = t - jnp.max(t, axis=1, keepdims=True)
    e = jnp.exp(t)
    return e / jnp.sum(e, axis=1, keepdims=True)


def _bdot(a, b):
    return jnp.dot(a.astype(jnp.bfloat16), b.astype(jnp.bfloat16),
                   preferred_element_type=jnp.float32)


def _stage1_body(s0_ref, s1_ref, dc_ref, w1_ref, b1_ref, ws1_ref, bs1_ref,
                 f_ref):
    agg = (s0_ref[...] + s1_ref[...]) / dc_ref[...]
    h = jnp.maximum(_bdot(agg, w1_ref[...]) + b1_ref[...], 0.0)
    f_ref[...] = _softmax(_bdot(h, ws1_ref[...]) + bs1_ref[...])


_stage1 = pl.pallas_call(
    _stage1_body,
    out_shape=jax.ShapeDtypeStruct((_N, _H), jnp.float32),
)


def _bdot8(a, b):
    a8 = jnp.concatenate([a] * 8, axis=0)
    return _bdot(a8, b)[0:1]


def _stage2_body(s0_ref, s1_ref, dc_ref, b2_ref, w2_ref, ws2_ref, bs2_ref,
                 g_ref):
    agg = (s0_ref[...] + s1_ref[...]) / dc_ref[...]
    h = jnp.maximum(_bdot(agg, w2_ref[...]) + b2_ref[...], 0.0)
    g_ref[...] = _softmax(_bdot(h, ws2_ref[...]) + bs2_ref[...])


_stage2 = pl.pallas_call(
    _stage2_body,
    out_shape=jax.ShapeDtypeStruct((_N, _H), jnp.float32),
)




def kernel(x, edge_index, W1, b1, Ws1, bs1, W2, b2, Ws2, bs2, Wd, bd, Wc, bc):
    src = edge_index[0].reshape(_NW, _NCH, _C)
    dst = edge_index[1].reshape(_NW, _NCH, _C)
    zrow_d = jnp.zeros((_RP, _D), jnp.float32)
    zrow_h = jnp.zeros((_RP, _H), jnp.float32)
    z1k = jnp.zeros((1000,), jnp.float32)

    s1p, deg0, deg1 = _sc_agg_deg(x, src, dst, zrow_d, z1k)
    degc = jnp.maximum(deg0 + deg1, 1.0)[:, None]

    f = _stage1(s1p[0], s1p[1], degc, W1, b1.reshape(1, _H), Ws1,
                bs1.reshape(1, _H))
    s2p = _sc_agg(f, src, dst, zrow_h, z1k)
    g = _stage2(s2p[0], s2p[1], degc, b2.reshape(1, _H), W2, Ws2,
                bs2.reshape(1, _H))
    fg = jnp.sum(f, axis=0, keepdims=True)
    new_fg = jnp.sum(f + g, axis=0, keepdims=True)
    xcat = jnp.concatenate((fg, new_fg), axis=1)
    xd = jax.nn.relu(xcat @ Wd + bd)
    return xd @ Wc + bc

# --- scband reference (transcript-rebuilt; emitter-appended) ---
"""Pipeline reference for scband-duvenaud-gcnclassifier-35107062678356 (READ-ONLY COPY).

The authoritative reference and input builder live on the scoring server;
editing this copy changes nothing except your own understanding.
"""

import jax, jax.numpy as jnp
import numpy as np

N = 10000
E = 320000
D = 128
H = 64


def setup_inputs(seed: int = 0) -> dict:
    key = jax.random.key(seed)
    ks = jax.random.split(key, 16)
    x = jax.random.normal(ks[0], (N, D), dtype=jnp.float32)
    edge_index = jax.random.randint(ks[1], (2, E), 0, N, dtype=jnp.int32)
    # Learned parameters (layers are instantiated fresh inside forward in the torch code;
    # here we materialize one fixed set of parameters).
    W1 = jax.random.normal(ks[2], (D, H), dtype=jnp.float32) * 0.05
    b1 = jnp.zeros((H,), dtype=jnp.float32)
    Ws1 = jax.random.normal(ks[3], (H, H), dtype=jnp.float32) * 0.05
    bs1 = jnp.zeros((H,), dtype=jnp.float32)
    W2 = jax.random.normal(ks[4], (H, H), dtype=jnp.float32) * 0.05
    b2 = jnp.zeros((H,), dtype=jnp.float32)
    Ws2 = jax.random.normal(ks[5], (H, H), dtype=jnp.float32) * 0.05
    bs2 = jnp.zeros((H,), dtype=jnp.float32)
    Wd = jax.random.normal(ks[6], (2 * H, H), dtype=jnp.float32) * 0.05
    bd = jnp.zeros((H,), dtype=jnp.float32)
    Wc = jax.random.normal(ks[7], (H, 1), dtype=jnp.float32) * 0.05
    bc = jnp.zeros((1,), dtype=jnp.float32)
    return {"x": x, "edge_index": edge_index, "W1": W1, "b1": b1, "Ws1": Ws1, "bs1": bs1,
            "W2": W2, "b2": b2, "Ws2": Ws2, "bs2": bs2, "Wd": Wd, "bd": bd, "Wc": Wc, "bc": bc}


def reference(x, edge_index, W1, b1, Ws1, bs1, W2, b2, Ws2, bs2, Wd, bd, Wc, bc):
    src = edge_index[0]
    dst = edge_index[1]
    deg = jax.ops.segment_sum(jnp.ones((E,), dtype=jnp.float32), dst, num_segments=N)
    deg = jnp.maximum(deg, 1.0)

    def mean_agg(h):
        # message: m = h[src]; reduce: mean over mailbox per dst node
        s = jax.ops.segment_sum(h[src], dst, num_segments=N)
        return s / deg[:, None]

    # DuvenaudGraphConvLayer 1: mean-aggregate then Linear + ReLU on all nodes
    h = jax.nn.relu(mean_agg(x) @ W1 + b1)
    # DuvenaudSoftmaxLayer 1: Linear + softmax(dim=1)
    h = jax.nn.softmax(h @ Ws1 + bs1, axis=1)
    f = h
    # DuvenaudGraphConvLayer 2
    h = jax.nn.relu(mean_agg(h) @ W2 + b2)
    # DuvenaudSoftmaxLayer 2
    h = jax.nn.softmax(h @ Ws2 + bs2, axis=1)
    new_f = f + h
    # dgl.sum_nodes over a single graph -> [1, H]
    fg = jnp.sum(f, axis=0, keepdims=True)
    new_fg = jnp.sum(new_f, axis=0, keepdims=True)
    xcat = jnp.concatenate((fg, new_fg), axis=1)
    xd = jax.nn.relu(xcat @ Wd + bd)
    return xd @ Wc + bc

if __name__ == "__main__":
    import jax
    _d = setup_inputs()
    print(jax.jit(kernel)(*tuple(_d.values())))

</pallas_src>

<mosaic_0001>
#map = affine_map<(d0, d1) -> (0, 0)>
#map1 = affine_map<(d0, d1) -> (0, 0, 0)>
#map2 = affine_map<(d0, d1) -> (0)>
module attributes {stable_mosaic.version = 14 : i64} {
  func.func @sc_agg(%arg0: i32, %arg1: i32, %arg2: memref<10000x64xf32, #tpu.memory_space<hbm>>, %arg3: memref<32x125x80xi32, #tpu.memory_space<hbm>>, %arg4: memref<32x125x80xi32, #tpu.memory_space<hbm>>, %arg5: memref<632x64xf32, #tpu.memory_space<hbm>>, %arg6: memref<1000xf32, #tpu.memory_space<hbm>>, %arg7: memref<2x10000x64xf32, #tpu.memory_space<hbm>>, %arg8: memref<125x80xi32, #tpu.memory_space<vmem>>, %arg9: memref<125x80xi32, #tpu.memory_space<vmem>>, %arg10: memref<80x64xf32, #tpu.memory_space<vmem>>, %arg11: memref<80x64xf32, #tpu.memory_space<vmem>>, %arg12: memref<10000x64xf32, #tpu.memory_space<vmem_shared>>, %arg13: memref<!tpu.dma_semaphore, #tpu.memory_space<semaphore_mem>>, %arg14: memref<!tpu.dma_semaphore, #tpu.memory_space<semaphore_mem>>) attributes {dimension_semantics = [#tpu.dimension_semantics<core_parallel>, #tpu.dimension_semantics<subcore_parallel>], iteration_bounds = array<i64: 2, 16>, scalar_prefetch = 0 : i64, scratch_operands = 7 : i64, tpu.core_type = #tpu.core_type<sc_vector_subcore>, window_params = [{transform_indices = #map}, {transform_indices = #map1}, {transform_indices = #map1}, {transform_indices = #map}, {transform_indices = #map2}, {transform_indices = #map1}]} {
    %mul3A = arith.constant 16 : i32
    %mul3A_0 = arith.muli %arg0, %mul3A : i32
    %add3A = arith.addi %mul3A_0, %arg1 : i32
    %mul3A_1 = arith.constant 632 : i32
    %mul3A_2 = arith.muli %arg1, %mul3A_1 : i32
    %min3A = arith.constant 9368 : i32
    %min3A_3 = arith.minsi %mul3A_2, %min3A : i32
    %multiple_of3A = tpu.assume_multiple %min3A_3, 8 : i32
    %mul3A_4 = arith.constant 1000 : i32
    %mul3A_5 = arith.muli %arg1, %mul3A_4 : i32
    %multiple_of3A_6 = tpu.assume_multiple %mul3A_5, 8 : i32
    "tpu.region"() ({
      %run_scoped3A_25 = tpu.sem_alloc : memref<!tpu.dma_semaphore, #tpu.memory_space<semaphore_mem>>
      %dma_start3A_26 = arith.constant 0 : i32
      %dma_start3A_27 = tpu.memref_slice %arg12[%multiple_of3A, %dma_start3A_26] : memref<10000x64xf32, #tpu.memory_space<vmem_shared>> -> memref<632x64xf32, #tpu.memory_space<vmem_shared>>
      tpu.enqueue_dma source(%arg5 : memref<632x64xf32, #tpu.memory_space<hbm>>) target(%dma_start3A_27 : memref<632x64xf32, #tpu.memory_space<vmem_shared>>) target_semaphore(%run_scoped3A_25 : memref<!tpu.dma_semaphore, #tpu.memory_space<semaphore_mem>>)
      %dma_wait3A_28 = arith.constant 0 : i32
      %dma_wait3A_29 = tpu.memref_slice %arg12[%multiple_of3A, %dma_wait3A_28] : memref<10000x64xf32, #tpu.memory_space<vmem_shared>> -> memref<632x64xf32, #tpu.memory_space<vmem_shared>>
      tpu.wait_dma2 semaphore(%run_scoped3A_25 : memref<!tpu.dma_semaphore, #tpu.memory_space<semaphore_mem>>) src(%arg5 : memref<632x64xf32, #tpu.memory_space<hbm>>) dst(%dma_wait3A_29 : memref<632x64xf32, #tpu.memory_space<vmem_shared>>)
      tpu.yield
    }) : () -> ()
    %barrier3A = arith.constant 0 : index
    tpu.barrier barrier_id(%barrier3A)
    "tpu.region"() ({
      %run_scoped3A_25 = tpu.sem_alloc : memref<!tpu.dma_semaphore, #tpu.memory_space<semaphore_mem>>
      %dma_start3A_26 = arith.constant 0 : i32
      %dma_start3A_27 = arith.constant 0 : i32
      %dma_start3A_28 = tpu.memref_slice %arg3[%add3A, %dma_start3A_26, %dma_start3A_27] : memref<32x125x80xi32, #tpu.memory_space<hbm>> -> memref<1x125x80xi32, #tpu.memory_space<hbm>>
      %dma_start3A_29 = tpu.memref_squeeze %dma_start3A_28 : memref<1x125x80xi32, #tpu.memory_space<hbm>> -> memref<125x80xi32, #tpu.memory_space<hbm>>
      %dma_start3A_30 = arith.constant 0 : i32
      %dma_start3A_31 = arith.constant 0 : i32
      %dma_start3A_32 = tpu.memref_slice %arg3[%add3A, %dma_start3A_30, %dma_start3A_31] : memref<32x125x80xi32, #tpu.memory_space<hbm>> -> memref<1x125x80xi32, #tpu.memory_space<hbm>>
      %dma_start3A_33 = tpu.memref_squeeze %dma_start3A_32 : memref<1x125x80xi32, #tpu.memory_space<hbm>> -> memref<125x80xi32, #tpu.memory_space<hbm>>
      tpu.enqueue_dma source(%dma_start3A_33 : memref<125x80xi32, #tpu.memory_space<hbm>>) target(%arg8 : memref<125x80xi32, #tpu.memory_space<vmem>>) target_semaphore(%run_scoped3A_25 : memref<!tpu.dma_semaphore, #tpu.memory_space<semaphore_mem>>)
      %dma_wait3A_34 = arith.constant 0 : i32
      %dma_wait3A_35 = arith.constant 0 : i32
      %dma_wait3A_36 = tpu.memref_slice %arg3[%add3A, %dma_wait3A_34, %dma_wait3A_35] : memref<32x125x80xi32, #tpu.memory_space<hbm>> -> memref<1x125x80xi32, #tpu.memory_space<hbm>>
      %dma_wait3A_37 = tpu.memref_squeeze %dma_wait3A_36 : memref<1x125x80xi32, #tpu.memory_space<hbm>> -> memref<125x80xi32, #tpu.memory_space<hbm>>
      %dma_wait3A_38 = arith.constant 0 : i32
      %dma_wait3A_39 = arith.constant 0 : i32
      %dma_wait3A_40 = tpu.memref_slice %arg3[%add3A, %dma_wait3A_38, %dma_wait3A_39] : memref<32x125x80xi32, #tpu.memory_space<hbm>> -> memref<1x125x80xi32, #tpu.memory_space<hbm>>
      %dma_wait3A_41 = tpu.memref_squeeze %dma_wait3A_40 : memref<1x125x80xi32, #tpu.memory_space<hbm>> -> memref<125x80xi32, #tpu.memory_space<hbm>>
      tpu.wait_dma2 semaphore(%run_scoped3A_25 : memref<!tpu.dma_semaphore, #tpu.memory_space<semaphore_mem>>) src(%dma_wait3A_41 : memref<125x80xi32, #tpu.memory_space<hbm>>) dst(%arg8 : memref<125x80xi32, #tpu.memory_space<vmem>>)
      tpu.yield
    }) : () -> ()
    "tpu.region"() ({
      %run_scoped3A_25 = tpu.sem_alloc : memref<!tpu.dma_semaphore, #tpu.memory_space<semaphore_mem>>
      %dma_start3A_26 = arith.constant 0 : i32
      %dma_start3A_27 = arith.constant 0 : i32
      %dma_start3A_28 = tpu.memref_slice %arg4[%add3A, %dma_start3A_26, %dma_start3A_27] : memref<32x125x80xi32, #tpu.memory_space<hbm>> -> memref<1x125x80xi32, #tpu.memory_space<hbm>>
      %dma_start3A_29 = tpu.memref_squeeze %dma_start3A_28 : memref<1x125x80xi32, #tpu.memory_space<hbm>> -> memref<125x80xi32, #tpu.memory_space<hbm>>
      %dma_start3A_30 = arith.constant 0 : i32
      %dma_start3A_31 = arith.constant 0 : i32
      %dma_start3A_32 = tpu.memref_slice %arg4[%add3A, %dma_start3A_30, %dma_start3A_31] : memref<32x125x80xi32, #tpu.memory_space<hbm>> -> memref<1x125x80xi32, #tpu.memory_space<hbm>>
      %dma_start3A_33 = tpu.memref_squeeze %dma_start3A_32 : memref<1x125x80xi32, #tpu.memory_space<hbm>> -> memref<125x80xi32, #tpu.memory_space<hbm>>
      tpu.enqueue_dma source(%dma_start3A_33 : memref<125x80xi32, #tpu.memory_space<hbm>>) target(%arg9 : memref<125x80xi32, #tpu.memory_space<vmem>>) target_semaphore(%run_scoped3A_25 : memref<!tpu.dma_semaphore, #tpu.memory_space<semaphore_mem>>)
      %dma_wait3A_34 = arith.constant 0 : i32
      %dma_wait3A_35 = arith.constant 0 : i32
      %dma_wait3A_36 = tpu.memref_slice %arg4[%add3A, %dma_wait3A_34, %dma_wait3A_35] : memref<32x125x80xi32, #tpu.memory_space<hbm>> -> memref<1x125x80xi32, #tpu.memory_space<hbm>>
      %dma_wait3A_37 = tpu.memref_squeeze %dma_wait3A_36 : memref<1x125x80xi32, #tpu.memory_space<hbm>> -> memref<125x80xi32, #tpu.memory_space<hbm>>
      %dma_wait3A_38 = arith.constant 0 : i32
      %dma_wait3A_39 = arith.constant 0 : i32
      %dma_wait3A_40 = tpu.memref_slice %arg4[%add3A, %dma_wait3A_38, %dma_wait3A_39] : memref<32x125x80xi32, #tpu.memory_space<hbm>> -> memref<1x125x80xi32, #tpu.memory_space<hbm>>
      %dma_wait3A_41 = tpu.memref_squeeze %dma_wait3A_40 : memref<1x125x80xi32, #tpu.memory_space<hbm>> -> memref<125x80xi32, #tpu.memory_space<hbm>>
      tpu.wait_dma2 semaphore(%run_scoped3A_25 : memref<!tpu.dma_semaphore, #tpu.memory_space<semaphore_mem>>) src(%dma_wait3A_41 : memref<125x80xi32, #tpu.memory_space<hbm>>) dst(%arg9 : memref<125x80xi32, #tpu.memory_space<vmem>>)
      tpu.yield
    }) : () -> ()
    %dma_start3A = arith.constant 0 : i32
    %dma_start3A_7 = arith.constant 0 : i32
    %dma_start3A_8 = tpu.memref_slice %arg8[%dma_start3A, %dma_start3A_7] : memref<125x80xi32, #tpu.memory_space<vmem>> -> memref<1x80xi32, #tpu.memory_space<vmem>>
    %dma_start3A_9 = tpu.memref_squeeze %dma_start3A_8 : memref<1x80xi32, #tpu.memory_space<vmem>> -> memref<80xi32, #tpu.memory_space<vmem>>
    %dma_start3A_10 = arith.constant 0 : i32
    %dma_start3A_11 = arith.constant 0 : i32
    %dma_start3A_12 = tpu.memref_slice %arg2[%dma_start3A_10, %dma_start3A_11] : memref<10000x64xf32, #tpu.memory_space<hbm>> -> memref<10000x64xf32, #tpu.memory_space<hbm>>
    tpu.enqueue_indirect_dma source(%dma_start3A_12 : memref<10000x64xf32, #tpu.memory_space<hbm>>) target(%arg10 : memref<80x64xf32, #tpu.memory_space<vmem>>) offsets(%dma_start3A_9 : memref<80xi32, #tpu.memory_space<vmem>>) semaphore(%arg13 : memref<!tpu.dma_semaphore, #tpu.memory_space<semaphore_mem>>)
    %scan3A = arith.constant 0 : i32
    %scan3A_13 = arith.constant 0 : i32
    %scan3A_14 = arith.constant 62 : i32
    %scan3A_15 = arith.addi %scan3A_13, %scan3A_14 : i32
    %scan3A_16 = arith.constant 1 : i32
    scf.for %scan3A_25 = %scan3A_13 to %scan3A_15 step %scan3A_16  : i32 {
      %mul3A_26 = arith.constant 2 : i32
      %mul3A_27 = arith.muli %scan3A_25, %mul3A_26 : i32
      %dma_wait3A_28 = arith.constant 0 : i32
      %dma_wait3A_29 = arith.constant 0 : i32
      %dma_wait3A_30 = tpu.memref_slice %arg8[%dma_wait3A_28, %dma_wait3A_29] : memref<125x80xi32, #tpu.memory_space<vmem>> -> memref<1x80xi32, #tpu.memory_space<vmem>>
      %dma_wait3A_31 = tpu.memref_squeeze %dma_wait3A_30 : memref<1x80xi32, #tpu.memory_space<vmem>> -> memref<80xi32, #tpu.memory_space<vmem>>
      %dma_wait3A_32 = arith.constant 0 : i32
      %dma_wait3A_33 = arith.constant 0 : i32
      %dma_wait3A_34 = tpu.memref_slice %arg2[%dma_wait3A_32, %dma_wait3A_33] : memref<10000x64xf32, #tpu.memory_space<hbm>> -> memref<10000x64xf32, #tpu.memory_space<hbm>>
      tpu.wait_indirect_dma semaphore(%arg13 : memref<!tpu.dma_semaphore, #tpu.memory_space<semaphore_mem>>) src(%dma_wait3A_34 : memref<10000x64xf32, #tpu.memory_space<hbm>>) dst(%arg10 : memref<80x64xf32, #tpu.memory_space<vmem>>)
      %add3A_35 = arith.constant 1 : i32
      %add3A_36 = arith.addi %mul3A_27, %add3A_35 : i32
      %dma_start3A_37 = arith.constant 0 : i32
      %dma_start3A_38 = tpu.memref_slice %arg8[%add3A_36, %dma_start3A_37] : memref<125x80xi32, #tpu.memory_space<vmem>> -> memref<1x80xi32, #tpu.memory_space<vmem>>
      %dma_start3A_39 = tpu.memref_squeeze %dma_start3A_38 : memref<1x80xi32, #tpu.memory_space<vmem>> -> memref<80xi32, #tpu.memory_space<vmem>>
      %dma_start3A_40 = arith.constant 0 : i32
      %dma_start3A_41 = arith.constant 0 : i32
      %dma_start3A_42 = tpu.memref_slice %arg2[%dma_start3A_40, %dma_start3A_41] : memref<10000x64xf32, #tpu.memory_space<hbm>> -> memref<10000x64xf32, #tpu.memory_space<hbm>>
      tpu.enqueue_indirect_dma source(%dma_start3A_42 : memref<10000x64xf32, #tpu.memory_space<hbm>>) target(%arg11 : memref<80x64xf32, #tpu.memory_space<vmem>>) offsets(%dma_start3A_39 : memref<80xi32, #tpu.memory_space<vmem>>) semaphore(%arg14 : memref<!tpu.dma_semaphore, #tpu.memory_space<semaphore_mem>>)
      "tpu.region"() ({
        %run_scoped3A_60 = tpu.sem_alloc : memref<!tpu.dma_semaphore, #tpu.memory_space<semaphore_mem>>
        %dma_start3A_61 = arith.constant 0 : i32
        %dma_start3A_62 = tpu.memref_slice %arg9[%mul3A_27, %dma_start3A_61] : memref<125x80xi32, #tpu.memory_space<vmem>> -> memref<1x80xi32, #tpu.memory_space<vmem>>
        %dma_start3A_63 = tpu.memref_squeeze %dma_start3A_62 : memref<1x80xi32, #tpu.memory_space<vmem>> -> memref<80xi32, #tpu.memory_space<vmem>>
        %dma_start3A_64 = arith.constant 0 : i32
        %dma_start3A_65 = arith.constant 0 : i32
        %dma_start3A_66 = tpu.memref_slice %arg12[%dma_start3A_64, %dma_start3A_65] : memref<10000x64xf32, #tpu.memory_space<vmem_shared>> -> memref<10000x64xf32, #tpu.memory_space<vmem_shared>>
        tpu.enqueue_indirect_dma source(%arg10 : memref<80x64xf32, #tpu.memory_space<vmem>>) target(%dma_start3A_66 : memref<10000x64xf32, #tpu.memory_space<vmem_shared>>) offsets(%dma_start3A_63 : memref<80xi32, #tpu.memory_space<vmem>>) semaphore(%run_scoped3A_60 : memref<!tpu.dma_semaphore, #tpu.memory_space<semaphore_mem>>) {add = true}
        %dma_wait3A_67 = arith.constant 0 : i32
        %dma_wait3A_68 = tpu.memref_slice %arg9[%mul3A_27, %dma_wait3A_67] : memref<125x80xi32, #tpu.memory_space<vmem>> -> memref<1x80xi32, #tpu.memory_space<vmem>>
        %dma_wait3A_69 = tpu.memref_squeeze %dma_wait3A_68 : memref<1x80xi32, #tpu.memory_space<vmem>> -> memref<80xi32, #tpu.memory_space<vmem>>
        %dma_wait3A_70 = arith.constant 0 : i32
        %dma_wait3A_71 = arith.constant 0 : i32
        %dma_wait3A_72 = tpu.memref_slice %arg12[%dma_wait3A_70, %dma_wait3A_71] : memref<10000x64xf32, #tpu.memory_space<vmem_shared>> -> memref<10000x64xf32, #tpu.memory_space<vmem_shared>>
        tpu.wait_indirect_dma semaphore(%run_scoped3A_60 : memref<!tpu.dma_semaphore, #tpu.memory_space<semaphore_mem>>) src(%arg10 : memref<80x64xf32, #tpu.memory_space<vmem>>) dst(%dma_wait3A_72 : memref<10000x64xf32, #tpu.memory_space<vmem_shared>>)
        tpu.yield
      }) : () -> ()
      %dma_wait3A_43 = arith.constant 0 : i32
      %dma_wait3A_44 = arith.constant 0 : i32
      %dma_wait3A_45 = tpu.memref_slice %arg8[%dma_wait3A_43, %dma_wait3A_44] : memref<125x80xi32, #tpu.memory_space<vmem>> -> memref<1x80xi32, #tpu.memory_space<vmem>>
      %dma_wait3A_46 = tpu.memref_squeeze %dma_wait3A_45 : memref<1x80xi32, #tpu.memory_space<vmem>> -> memref<80xi32, #tpu.memory_space<vmem>>
      %dma_wait3A_47 = arith.constant 0 : i32
      %dma_wait3A_48 = arith.constant 0 : i32
      %dma_wait3A_49 = tpu.memref_slice %arg2[%dma_wait3A_47, %dma_wait3A_48] : memref<10000x64xf32, #tpu.memory_space<hbm>> -> memref<10000x64xf32, #tpu.memory_space<hbm>>
      tpu.wait_indirect_dma semaphore(%arg14 : memref<!tpu.dma_semaphore, #tpu.memory_space<semaphore_mem>>) src(%dma_wait3A_49 : memref<10000x64xf32, #tpu.memory_space<hbm>>) dst(%arg11 : memref<80x64xf32, #tpu.memory_space<vmem>>)
      %add3A_50 = arith.constant 2 : i32
      %add3A_51 = arith.addi %mul3A_27, %add3A_50 : i32
      %dma_start3A_52 = arith.constant 0 : i32
      %dma_start3A_53 = tpu.memref_slice %arg8[%add3A_51, %dma_start3A_52] : memref<125x80xi32, #tpu.memory_space<vmem>> -> memref<1x80xi32, #tpu.memory_space<vmem>>
      %dma_start3A_54 = tpu.memref_squeeze %dma_start3A_53 : memref<1x80xi32, #tpu.memory_space<vmem>> -> memref<80xi32, #tpu.memory_space<vmem>>
      %dma_start3A_55 = arith.constant 0 : i32
      %dma_start3A_56 = arith.constant 0 : i32
      %dma_start3A_57 = tpu.memref_slice %arg2[%dma_start3A_55, %dma_start3A_56] : memref<10000x64xf32, #tpu.memory_space<hbm>> -> memref<10000x64xf32, #tpu.memory_space<hbm>>
      tpu.enqueue_indirect_dma source(%dma_start3A_57 : memref<10000x64xf32, #tpu.memory_space<hbm>>) target(%arg10 : memref<80x64xf32, #tpu.memory_space<vmem>>) offsets(%dma_start3A_54 : memref<80xi32, #tpu.memory_space<vmem>>) semaphore(%arg13 : memref<!tpu.dma_semaphore, #tpu.memory_space<semaphore_mem>>)
      %add3A_58 = arith.constant 1 : i32
      %add3A_59 = arith.addi %mul3A_27, %add3A_58 : i32
      "tpu.region"() ({
        %run_scoped3A_60 = tpu.sem_alloc : memref<!tpu.dma_semaphore, #tpu.memory_space<semaphore_mem>>
        %dma_start3A_61 = arith.constant 0 : i32
        %dma_start3A_62 = tpu.memref_slice %arg9[%add3A_59, %dma_start3A_61] : memref<125x80xi32, #tpu.memory_space<vmem>> -> memref<1x80xi32, #tpu.memory_space<vmem>>
        %dma_start3A_63 = tpu.memref_squeeze %dma_start3A_62 : memref<1x80xi32, #tpu.memory_space<vmem>> -> memref<80xi32, #tpu.memory_space<vmem>>
        %dma_start3A_64 = arith.constant 0 : i32
        %dma_start3A_65 = arith.constant 0 : i32
        %dma_start3A_66 = tpu.memref_slice %arg12[%dma_start3A_64, %dma_start3A_65] : memref<10000x64xf32, #tpu.memory_space<vmem_shared>> -> memref<10000x64xf32, #tpu.memory_space<vmem_shared>>
        tpu.enqueue_indirect_dma source(%arg11 : memref<80x64xf32, #tpu.memory_space<vmem>>) target(%dma_start3A_66 : memref<10000x64xf32, #tpu.memory_space<vmem_shared>>) offsets(%dma_start3A_63 : memref<80xi32, #tpu.memory_space<vmem>>) semaphore(%run_scoped3A_60 : memref<!tpu.dma_semaphore, #tpu.memory_space<semaphore_mem>>) {add = true}
        %dma_wait3A_67 = arith.constant 0 : i32
        %dma_wait3A_68 = tpu.memref_slice %arg9[%add3A_59, %dma_wait3A_67] : memref<125x80xi32, #tpu.memory_space<vmem>> -> memref<1x80xi32, #tpu.memory_space<vmem>>
        %dma_wait3A_69 = tpu.memref_squeeze %dma_wait3A_68 : memref<1x80xi32, #tpu.memory_space<vmem>> -> memref<80xi32, #tpu.memory_space<vmem>>
        %dma_wait3A_70 = arith.constant 0 : i32
        %dma_wait3A_71 = arith.constant 0 : i32
        %dma_wait3A_72 = tpu.memref_slice %arg12[%dma_wait3A_70, %dma_wait3A_71] : memref<10000x64xf32, #tpu.memory_space<vmem_shared>> -> memref<10000x64xf32, #tpu.memory_space<vmem_shared>>
        tpu.wait_indirect_dma semaphore(%run_scoped3A_60 : memref<!tpu.dma_semaphore, #tpu.memory_space<semaphore_mem>>) src(%arg11 : memref<80x64xf32, #tpu.memory_space<vmem>>) dst(%dma_wait3A_72 : memref<10000x64xf32, #tpu.memory_space<vmem_shared>>)
        tpu.yield
      }) : () -> ()
    }
    %scan3A_17 = arith.constant 62 : i32
    %dma_wait3A = arith.constant 0 : i32
    %dma_wait3A_18 = arith.constant 0 : i32
    %dma_wait3A_19 = tpu.memref_slice %arg8[%dma_wait3A, %dma_wait3A_18] : memref<125x80xi32, #tpu.memory_space<vmem>> -> memref<1x80xi32, #tpu.memory_space<vmem>>
    %dma_wait3A_20 = tpu.memref_squeeze %dma_wait3A_19 : memref<1x80xi32, #tpu.memory_space<vmem>> -> memref<80xi32, #tpu.memory_space<vmem>>
    %dma_wait3A_21 = arith.constant 0 : i32
    %dma_wait3A_22 = arith.constant 0 : i32
    %dma_wait3A_23 = tpu.memref_slice %arg2[%dma_wait3A_21, %dma_wait3A_22] : memref<10000x64xf32, #tpu.memory_space<hbm>> -> memref<10000x64xf32, #tpu.memory_space<hbm>>
    tpu.wait_indirect_dma semaphore(%arg13 : memref<!tpu.dma_semaphore, #tpu.memory_space<semaphore_mem>>) src(%dma_wait3A_23 : memref<10000x64xf32, #tpu.memory_space<hbm>>) dst(%arg10 : memref<80x64xf32, #tpu.memory_space<vmem>>)
    %run_scoped3A = arith.constant 124 : i32
    "tpu.region"() ({
      %run_scoped3A_25 = tpu.sem_alloc : memref<!tpu.dma_semaphore, #tpu.memory_space<semaphore_mem>>
      %dma_start3A_26 = arith.constant 0 : i32
      %dma_start3A_27 = tpu.memref_slice %arg9[%run_scoped3A, %dma_start3A_26] : memref<125x80xi32, #tpu.memory_space<vmem>> -> memref<1x80xi32, #tpu.memory_space<vmem>>
      %dma_start3A_28 = tpu.memref_squeeze %dma_start3A_27 : memref<1x80xi32, #tpu.memory_space<vmem>> -> memref<80xi32, #tpu.memory_space<vmem>>
      %dma_start3A_29 = arith.constant 0 : i32
      %dma_start3A_30 = arith.constant 0 : i32
      %dma_start3A_31 = tpu.memref_slice %arg12[%dma_start3A_29, %dma_start3A_30] : memref<10000x64xf32, #tpu.memory_space<vmem_shared>> -> memref<10000x64xf32, #tpu.memory_space<vmem_shared>>
      tpu.enqueue_indirect_dma source(%arg10 : memref<80x64xf32, #tpu.memory_space<vmem>>) target(%dma_start3A_31 : memref<10000x64xf32, #tpu.memory_space<vmem_shared>>) offsets(%dma_start3A_28 : memref<80xi32, #tpu.memory_space<vmem>>) semaphore(%run_scoped3A_25 : memref<!tpu.dma_semaphore, #tpu.memory_space<semaphore_mem>>) {add = true}
      %dma_wait3A_32 = arith.constant 0 : i32
      %dma_wait3A_33 = tpu.memref_slice %arg9[%run_scoped3A, %dma_wait3A_32] : memref<125x80xi32, #tpu.memory_space<vmem>> -> memref<1x80xi32, #tpu.memory_space<vmem>>
      %dma_wait3A_34 = tpu.memref_squeeze %dma_wait3A_33 : memref<1x80xi32, #tpu.memory_space<vmem>> -> memref<80xi32, #tpu.memory_space<vmem>>
      %dma_wait3A_35 = arith.constant 0 : i32
      %dma_wait3A_36 = arith.constant 0 : i32
      %dma_wait3A_37 = tpu.memref_slice %arg12[%dma_wait3A_35, %dma_wait3A_36] : memref<10000x64xf32, #tpu.memory_space<vmem_shared>> -> memref<10000x64xf32, #tpu.memory_space<vmem_shared>>
      tpu.wait_indirect_dma semaphore(%run_scoped3A_25 : memref<!tpu.dma_semaphore, #tpu.memory_space<semaphore_mem>>) src(%arg10 : memref<80x64xf32, #tpu.memory_space<vmem>>) dst(%dma_wait3A_37 : memref<10000x64xf32, #tpu.memory_space<vmem_shared>>)
      tpu.yield
    }) : () -> ()
    %barrier3A_24 = arith.constant 0 : index
    tpu.barrier barrier_id(%barrier3A_24)
    "tpu.region"() ({
      %run_scoped3A_25 = tpu.sem_alloc : memref<!tpu.dma_semaphore, #tpu.memory_space<semaphore_mem>>
      %dma_start3A_26 = arith.constant 0 : i32
      %dma_start3A_27 = tpu.memref_slice %arg7[%arg0, %multiple_of3A, %dma_start3A_26] : memref<2x10000x64xf32, #tpu.memory_space<hbm>> -> memref<1x632x64xf32, #tpu.memory_space<hbm>>
      %dma_start3A_28 = tpu.memref_squeeze %dma_start3A_27 : memref<1x632x64xf32, #tpu.memory_space<hbm>> -> memref<632x64xf32, #tpu.memory_space<hbm>>
      %dma_start3A_29 = arith.constant 0 : i32
      %dma_start3A_30 = tpu.memref_slice %arg12[%multiple_of3A, %dma_start3A_29] : memref<10000x64xf32, #tpu.memory_space<vmem_shared>> -> memref<632x64xf32, #tpu.memory_space<vmem_shared>>
      tpu.enqueue_dma source(%dma_start3A_30 : memref<632x64xf32, #tpu.memory_space<vmem_shared>>) target(%dma_start3A_28 : memref<632x64xf32, #tpu.memory_space<hbm>>) target_semaphore(%run_scoped3A_25 : memref<!tpu.dma_semaphore, #tpu.memory_space<semaphore_mem>>)
      %dma_wait3A_31 = arith.constant 0 : i32
      %dma_wait3A_32 = tpu.memref_slice %arg7[%arg0, %multiple_of3A, %dma_wait3A_31] : memref<2x10000x64xf32, #tpu.memory_space<hbm>> -> memref<1x632x64xf32, #tpu.memory_space<hbm>>
      %dma_wait3A_33 = tpu.memref_squeeze %dma_wait3A_32 : memref<1x632x64xf32, #tpu.memory_space<hbm>> -> memref<632x64xf32, #tpu.memory_space<hbm>>
      %dma_wait3A_34 = arith.constant 0 : i32
      %dma_wait3A_35 = tpu.memref_slice %arg12[%multiple_of3A, %dma_wait3A_34] : memref<10000x64xf32, #tpu.memory_space<vmem_shared>> -> memref<632x64xf32, #tpu.memory_space<vmem_shared>>
      tpu.wait_dma2 semaphore(%run_scoped3A_25 : memref<!tpu.dma_semaphore, #tpu.memory_space<semaphore_mem>>) src(%dma_wait3A_35 : memref<632x64xf32, #tpu.memory_space<vmem_shared>>) dst(%dma_wait3A_33 : memref<632x64xf32, #tpu.memory_space<hbm>>)
      tpu.yield
    }) : () -> ()
    return
  }
}

#map = affine_map<(d0, d1) -> (0, 0)>
#map1 = affine_map<(d0, d1) -> (0, 0, 0)>
#map2 = affine_map<(d0, d1) -> (0)>
module attributes {stable_mosaic.version = 14 : i64} {
  func.func @sc_agg(%arg0: i32, %arg1: i32, %arg2: memref<10000x128xf32, #tpu.memory_space<hbm>>, %arg3: memref<32x125x80xi32, #tpu.memory_space<hbm>>, %arg4: memref<32x125x80xi32, #tpu.memory_space<hbm>>, %arg5: memref<632x128xf32, #tpu.memory_space<hbm>>, %arg6: memref<1000xf32, #tpu.memory_space<hbm>>, %arg7: memref<2x10000x128xf32, #tpu.memory_space<hbm>>, %arg8: memref<10000xf32, #tpu.memory_space<hbm>>, %arg9: memref<10000xf32, #tpu.memory_space<hbm>>, %arg10: memref<125x80xi32, #tpu.memory_space<vmem>>, %arg11: memref<125x80xi32, #tpu.memory_space<vmem>>, %arg12: memref<80x128xf32, #tpu.memory_space<vmem>>, %arg13: memref<80x128xf32, #tpu.memory_space<vmem>>, %arg14: memref<10000x128xf32, #tpu.memory_space<vmem_shared>>, %arg15: memref<!tpu.dma_semaphore, #tpu.memory_space<semaphore_mem>>, %arg16: memref<!tpu.dma_semaphore, #tpu.memory_space<semaphore_mem>>, %arg17: memref<80xf32, #tpu.memory_space<vmem>>, %arg18: memref<10000xf32, #tpu.memory_space<vmem_shared>>, %arg19: memref<1000xf32, #tpu.memory_space<vmem>>) attributes {dimension_semantics = [#tpu.dimension_semantics<core_parallel>, #tpu.dimension_semantics<subcore_parallel>], iteration_bounds = array<i64: 2, 16>, scalar_prefetch = 0 : i64, scratch_operands = 10 : i64, tpu.core_type = #tpu.core_type<sc_vector_subcore>, window_params = [{transform_indices = #map}, {transform_indices = #map1}, {transform_indices = #map1}, {transform_indices = #map}, {transform_indices = #map2}, {transform_indices = #map1}, {transform_indices = #map2}, {transform_indices = #map2}]} {
    %mul3A = arith.constant 16 : i32
    %mul3A_0 = arith.muli %arg0, %mul3A : i32
    %add3A = arith.addi %mul3A_0, %arg1 : i32
    %mul3A_1 = arith.constant 632 : i32
    %mul3A_2 = arith.muli %arg1, %mul3A_1 : i32
    %min3A = arith.constant 9368 : i32
    %min3A_3 = arith.minsi %mul3A_2, %min3A : i32
    %multiple_of3A = tpu.assume_multiple %min3A_3, 8 : i32
    %mul3A_4 = arith.constant 1000 : i32
    %mul3A_5 = arith.muli %arg1, %mul3A_4 : i32
    %multiple_of3A_6 = tpu.assume_multiple %mul3A_5, 8 : i32
    "tpu.region"() ({
      %run_scoped3A_61 = tpu.sem_alloc : memref<!tpu.dma_semaphore, #tpu.memory_space<semaphore_mem>>
      %dma_start3A_62 = arith.constant 0 : i32
      %dma_start3A_63 = tpu.memref_slice %arg14[%multiple_of3A, %dma_start3A_62] : memref<10000x128xf32, #tpu.memory_space<vmem_shared>> -> memref<632x128xf32, #tpu.memory_space<vmem_shared>>
      tpu.enqueue_dma source(%arg5 : memref<632x128xf32, #tpu.memory_space<hbm>>) target(%dma_start3A_63 : memref<632x128xf32, #tpu.memory_space<vmem_shared>>) target_semaphore(%run_scoped3A_61 : memref<!tpu.dma_semaphore, #tpu.memory_space<semaphore_mem>>)
      %dma_wait3A_64 = arith.constant 0 : i32
      %dma_wait3A_65 = tpu.memref_slice %arg14[%multiple_of3A, %dma_wait3A_64] : memref<10000x128xf32, #tpu.memory_space<vmem_shared>> -> memref<632x128xf32, #tpu.memory_space<vmem_shared>>
      tpu.wait_dma2 semaphore(%run_scoped3A_61 : memref<!tpu.dma_semaphore, #tpu.memory_space<semaphore_mem>>) src(%arg5 : memref<632x128xf32, #tpu.memory_space<hbm>>) dst(%dma_wait3A_65 : memref<632x128xf32, #tpu.memory_space<vmem_shared>>)
      tpu.yield
    }) : () -> ()
    %lt3A = arith.constant 10 : i32
    %lt3A_7 = arith.cmpi slt, %arg1, %lt3A : i32
    %convert_element_type3A = arith.extui %lt3A_7 : i1 to i32
    %cond3A = arith.constant 0 : i32
    %cond3A_8 = arith.cmpi ne, %convert_element_type3A, %cond3A : i32
    scf.if %cond3A_8 {
      "tpu.region"() ({
        %run_scoped3A_61 = tpu.sem_alloc : memref<!tpu.dma_semaphore, #tpu.memory_space<semaphore_mem>>
        tpu.enqueue_dma source(%arg6 : memref<1000xf32, #tpu.memory_space<hbm>>) target(%arg19 : memref<1000xf32, #tpu.memory_space<vmem>>) target_semaphore(%run_scoped3A_61 : memref<!tpu.dma_semaphore, #tpu.memory_space<semaphore_mem>>)
        tpu.wait_dma2 semaphore(%run_scoped3A_61 : memref<!tpu.dma_semaphore, #tpu.memory_space<semaphore_mem>>) src(%arg6 : memref<1000xf32, #tpu.memory_space<hbm>>) dst(%arg19 : memref<1000xf32, #tpu.memory_space<vmem>>)
        tpu.yield
      }) : () -> ()
      "tpu.region"() ({
        %run_scoped3A_61 = tpu.sem_alloc : memref<!tpu.dma_semaphore, #tpu.memory_space<semaphore_mem>>
        %dma_start3A_62 = tpu.memref_slice %arg18[%multiple_of3A_6] : memref<10000xf32, #tpu.memory_space<vmem_shared>> -> memref<1000xf32, #tpu.memory_space<vmem_shared>>
        %dma_start3A_63 = tpu.memref_slice %arg18[%multiple_of3A_6] : memref<10000xf32, #tpu.memory_space<vmem_shared>> -> memref<1000xf32, #tpu.memory_space<vmem_shared>>
        tpu.enqueue_dma source(%arg19 : memref<1000xf32, #tpu.memory_space<vmem>>) target(%dma_start3A_63 : memref<1000xf32, #tpu.memory_space<vmem_shared>>) target_semaphore(%run_scoped3A_61 : memref<!tpu.dma_semaphore, #tpu.memory_space<semaphore_mem>>)
        %dma_wait3A_64 = tpu.memref_slice %arg18[%multiple_of3A_6] : memref<10000xf32, #tpu.memory_space<vmem_shared>> -> memref<1000xf32, #tpu.memory_space<vmem_shared>>
        %dma_wait3A_65 = tpu.memref_slice %arg18[%multiple_of3A_6] : memref<10000xf32, #tpu.memory_space<vmem_shared>> -> memref<1000xf32, #tpu.memory_space<vmem_shared>>
        tpu.wait_dma2 semaphore(%run_scoped3A_61 : memref<!tpu.dma_semaphore, #tpu.memory_space<semaphore_mem>>) src(%arg19 : memref<1000xf32, #tpu.memory_space<vmem>>) dst(%dma_wait3A_65 : memref<1000xf32, #tpu.memory_space<vmem_shared>>)
        tpu.yield
      }) : () -> ()
    } else {
    }
    %broadcast_in_dim3A = arith.constant 1.000000e+00 : f32
    %broadcast_in_dim3A_9 = vector.broadcast %broadcast_in_dim3A : f32 to vector<16xf32>
    %swap3A = arith.constant 0 : index
    %swap3A_10 = tpu.vector_load %arg17[%swap3A] {strides = array<i32>} : memref<80xf32, #tpu.memory_space<vmem>>, vector<16xf32>,
    %swap3A_11 = vector.shape_cast %swap3A_10 : vector<16xf32> to vector<16xf32>
    %swap3A_12 = vector.shape_cast %broadcast_in_dim3A_9 : vector<16xf32> to vector<16xf32>
    tpu.vector_store %arg17[%swap3A], %swap3A_12 {strides = array<i32>} : memref<80xf32, #tpu.memory_space<vmem>>, vector<16xf32>,
    %broadcast_in_dim3A_13 = arith.constant 1.000000e+00 : f32
    %broadcast_in_dim3A_14 = vector.broadcast %broadcast_in_dim3A_13 : f32 to vector<16xf32>
    %swap3A_15 = arith.constant 16 : index
    %swap3A_16 = tpu.vector_load %arg17[%swap3A_15] {strides = array<i32>} : memref<80xf32, #tpu.memory_space<vmem>>, vector<16xf32>,
    %swap3A_17 = vector.shape_cast %swap3A_16 : vector<16xf32> to vector<16xf32>
    %swap3A_18 = vector.shape_cast %broadcast_in_dim3A_14 : vector<16xf32> to vector<16xf32>
    tpu.vector_store %arg17[%swap3A_15], %swap3A_18 {strides = array<i32>} : memref<80xf32, #tpu.memory_space<vmem>>, vector<16xf32>,
    %broadcast_in_dim3A_19 = arith.constant 1.000000e+00 : f32
    %broadcast_in_dim3A_20 = vector.broadcast %broadcast_in_dim3A_19 : f32 to vector<16xf32>
    %swap3A_21 = arith.constant 32 : index
    %swap3A_22 = tpu.vector_load %arg17[%swap3A_21] {strides = array<i32>} : memref<80xf32, #tpu.memory_space<vmem>>, vector<16xf32>,
    %swap3A_23 = vector.shape_cast %swap3A_22 : vector<16xf32> to vector<16xf32>
    %swap3A_24 = vector.shape_cast %broadcast_in_dim3A_20 : vector<16xf32> to vector<16xf32>
    tpu.vector_store %arg17[%swap3A_21], %swap3A_24 {strides = array<i32>} : memref<80xf32, #tpu.memory_space<vmem>>, vector<16xf32>,
    %broadcast_in_dim3A_25 = arith.constant 1.000000e+00 : f32
    %broadcast_in_dim3A_26 = vector.broadcast %broadcast_in_dim3A_25 : f32 to vector<16xf32>
    %swap3A_27 = arith.constant 48 : index
    %swap3A_28 = tpu.vector_load %arg17[%swap3A_27] {strides = array<i32>} : memref<80xf32, #tpu.memory_space<vmem>>, vector<16xf32>,
    %swap3A_29 = vector.shape_cast %swap3A_28 : vector<16xf32> to vector<16xf32>
    %swap3A_30 = vector.shape_cast %broadcast_in_dim3A_26 : vector<16xf32> to vector<16xf32>
    tpu.vector_store %arg17[%swap3A_27], %swap3A_30 {strides = array<i32>} : memref<80xf32, #tpu.memory_space<vmem>>, vector<16xf32>,
    %broadcast_in_dim3A_31 = arith.constant 1.000000e+00 : f32
    %broadcast_in_dim3A_32 = vector.broadcast %broadcast_in_dim3A_31 : f32 to vector<16xf32>
    %swap3A_33 = arith.constant 64 : index
    %swap3A_34 = tpu.vector_load %arg17[%swap3A_33] {strides = array<i32>} : memref<80xf32, #tpu.memory_space<vmem>>, vector<16xf32>,
    %swap3A_35 = vector.shape_cast %swap3A_34 : vector<16xf32> to vector<16xf32>
    %swap3A_36 = vector.shape_cast %broadcast_in_dim3A_32 : vector<16xf32> to vector<16xf32>
    tpu.vector_store %arg17[%swap3A_33], %swap3A_36 {strides = array<i32>} : memref<80xf32, #tpu.memory_space<vmem>>, vector<16xf32>,
    %barrier3A = arith.constant 0 : index
    tpu.barrier barrier_id(%barrier3A)
    "tpu.region"() ({
      %run_scoped3A_61 = tpu.sem_alloc : memref<!tpu.dma_semaphore, #tpu.memory_space<semaphore_mem>>
      %dma_start3A_62 = arith.constant 0 : i32
      %dma_start3A_63 = arith.constant 0 : i32
      %dma_start3A_64 = tpu.memref_slice %arg3[%add3A, %dma_start3A_62, %dma_start3A_63] : memref<32x125x80xi32, #tpu.memory_space<hbm>> -> memref<1x125x80xi32, #tpu.memory_space<hbm>>
      %dma_start3A_65 = tpu.memref_squeeze %dma_start3A_64 : memref<1x125x80xi32, #tpu.memory_space<hbm>> -> memref<125x80xi32, #tpu.memory_space<hbm>>
      %dma_start3A_66 = arith.constant 0 : i32
      %dma_start3A_67 = arith.constant 0 : i32
      %dma_start3A_68 = tpu.memref_slice %arg3[%add3A, %dma_start3A_66, %dma_start3A_67] : memref<32x125x80xi32, #tpu.memory_space<hbm>> -> memref<1x125x80xi32, #tpu.memory_space<hbm>>
      %dma_start3A_69 = tpu.memref_squeeze %dma_start3A_68 : memref<1x125x80xi32, #tpu.memory_space<hbm>> -> memref<125x80xi32, #tpu.memory_space<hbm>>
      tpu.enqueue_dma source(%dma_start3A_69 : memref<125x80xi32, #tpu.memory_space<hbm>>) target(%arg10 : memref<125x80xi32, #tpu.memory_space<vmem>>) target_semaphore(%run_scoped3A_61 : memref<!tpu.dma_semaphore, #tpu.memory_space<semaphore_mem>>)
      %dma_wait3A_70 = arith.constant 0 : i32
      %dma_wait3A_71 = arith.constant 0 : i32
      %dma_wait3A_72 = tpu.memref_slice %arg3[%add3A, %dma_wait3A_70, %dma_wait3A_71] : memref<32x125x80xi32, #tpu.memory_space<hbm>> -> memref<1x125x80xi32, #tpu.memory_space<hbm>>
      %dma_wait3A_73 = tpu.memref_squeeze %dma_wait3A_72 : memref<1x125x80xi32, #tpu.memory_space<hbm>> -> memref<125x80xi32, #tpu.memory_space<hbm>>
      %dma_wait3A_74 = arith.constant 0 : i32
      %dma_wait3A_75 = arith.constant 0 : i32
      %dma_wait3A_76 = tpu.memref_slice %arg3[%add3A, %dma_wait3A_74, %dma_wait3A_75] : memref<32x125x80xi32, #tpu.memory_space<hbm>> -> memref<1x125x80xi32, #tpu.memory_space<hbm>>
      %dma_wait3A_77 = tpu.memref_squeeze %dma_wait3A_76 : memref<1x125x80xi32, #tpu.memory_space<hbm>> -> memref<125x80xi32, #tpu.memory_space<hbm>>
      tpu.wait_dma2 semaphore(%run_scoped3A_61 : memref<!tpu.dma_semaphore, #tpu.memory_space<semaphore_mem>>) src(%dma_wait3A_77 : memref<125x80xi32, #tpu.memory_space<hbm>>) dst(%arg10 : memref<125x80xi32, #tpu.memory_space<vmem>>)
      tpu.yield
    }) : () -> ()
    "tpu.region"() ({
      %run_scoped3A_61 = tpu.sem_alloc : memref<!tpu.dma_semaphore, #tpu.memory_space<semaphore_mem>>
      %dma_start3A_62 = arith.constant 0 : i32
      %dma_start3A_63 = arith.constant 0 : i32
      %dma_start3A_64 = tpu.memref_slice %arg4[%add3A, %dma_start3A_62, %dma_start3A_63] : memref<32x125x80xi32, #tpu.memory_space<hbm>> -> memref<1x125x80xi32, #tpu.memory_space<hbm>>
      %dma_start3A_65 = tpu.memref_squeeze %dma_start3A_64 : memref<1x125x80xi32, #tpu.memory_space<hbm>> -> memref<125x80xi32, #tpu.memory_space<hbm>>
      %dma_start3A_66 = arith.constant 0 : i32
      %dma_start3A_67 = arith.constant 0 : i32
      %dma_start3A_68 = tpu.memref_slice %arg4[%add3A, %dma_start3A_66, %dma_start3A_67] : memref<32x125x80xi32, #tpu.memory_space<hbm>> -> memref<1x125x80xi32, #tpu.memory_space<hbm>>
      %dma_start3A_69 = tpu.memref_squeeze %dma_start3A_68 : memref<1x125x80xi32, #tpu.memory_space<hbm>> -> memref<125x80xi32, #tpu.memory_space<hbm>>
      tpu.enqueue_dma source(%dma_start3A_69 : memref<125x80xi32, #tpu.memory_space<hbm>>) target(%arg11 : memref<125x80xi32, #tpu.memory_space<vmem>>) target_semaphore(%run_scoped3A_61 : memref<!tpu.dma_semaphore, #tpu.memory_space<semaphore_mem>>)
      %dma_wait3A_70 = arith.constant 0 : i32
      %dma_wait3A_71 = arith.constant 0 : i32
      %dma_wait3A_72 = tpu.memref_slice %arg4[%add3A, %dma_wait3A_70, %dma_wait3A_71] : memref<32x125x80xi32, #tpu.memory_space<hbm>> -> memref<1x125x80xi32, #tpu.memory_space<hbm>>
      %dma_wait3A_73 = tpu.memref_squeeze %dma_wait3A_72 : memref<1x125x80xi32, #tpu.memory_space<hbm>> -> memref<125x80xi32, #tpu.memory_space<hbm>>
      %dma_wait3A_74 = arith.constant 0 : i32
      %dma_wait3A_75 = arith.constant 0 : i32
      %dma_wait3A_76 = tpu.memref_slice %arg4[%add3A, %dma_wait3A_74, %dma_wait3A_75] : memref<32x125x80xi32, #tpu.memory_space<hbm>> -> memref<1x125x80xi32, #tpu.memory_space<hbm>>
      %dma_wait3A_77 = tpu.memref_squeeze %dma_wait3A_76 : memref<1x125x80xi32, #tpu.memory_space<hbm>> -> memref<125x80xi32, #tpu.memory_space<hbm>>
      tpu.wait_dma2 semaphore(%run_scoped3A_61 : memref<!tpu.dma_semaphore, #tpu.memory_space<semaphore_mem>>) src(%dma_wait3A_77 : memref<125x80xi32, #tpu.memory_space<hbm>>) dst(%arg11 : memref<125x80xi32, #tpu.memory_space<vmem>>)
      tpu.yield
    }) : () -> ()
    %dma_start3A = arith.constant 0 : i32
    %dma_start3A_37 = arith.constant 0 : i32
    %dma_start3A_38 = tpu.memref_slice %arg10[%dma_start3A, %dma_start3A_37] : memref<125x80xi32, #tpu.memory_space<vmem>> -> memref<1x80xi32, #tpu.memory_space<vmem>>
    %dma_start3A_39 = tpu.memref_squeeze %dma_start3A_38 : memref<1x80xi32, #tpu.memory_space<vmem>> -> memref<80xi32, #tpu.memory_space<vmem>>
    %dma_start3A_40 = arith.constant 0 : i32
    %dma_start3A_41 = arith.constant 0 : i32
    %dma_start3A_42 = tpu.memref_slice %arg2[%dma_start3A_40, %dma_start3A_41] : memref<10000x128xf32, #tpu.memory_space<hbm>> -> memref<10000x128xf32, #tpu.memory_space<hbm>>
    tpu.enqueue_indirect_dma source(%dma_start3A_42 : memref<10000x128xf32, #tpu.memory_space<hbm>>) target(%arg12 : memref<80x128xf32, #tpu.memory_space<vmem>>) offsets(%dma_start3A_39 : memref<80xi32, #tpu.memory_space<vmem>>) semaphore(%arg15 : memref<!tpu.dma_semaphore, #tpu.memory_space<semaphore_mem>>)
    %scan3A = arith.constant 0 : i32
    %scan3A_43 = arith.constant 0 : i32
    %scan3A_44 = arith.constant 62 : i32
    %scan3A_45 = arith.addi %scan3A_43, %scan3A_44 : i32
    %scan3A_46 = arith.constant 1 : i32
    scf.for %scan3A_61 = %scan3A_43 to %scan3A_45 step %scan3A_46  : i32 {
      %mul3A_62 = arith.constant 2 : i32
      %mul3A_63 = arith.muli %scan3A_61, %mul3A_62 : i32
      %dma_wait3A_64 = arith.constant 0 : i32
      %dma_wait3A_65 = arith.constant 0 : i32
      %dma_wait3A_66 = tpu.memref_slice %arg10[%dma_wait3A_64, %dma_wait3A_65] : memref<125x80xi32, #tpu.memory_space<vmem>> -> memref<1x80xi32, #tpu.memory_space<vmem>>
      %dma_wait3A_67 = tpu.memref_squeeze %dma_wait3A_66 : memref<1x80xi32, #tpu.memory_space<vmem>> -> memref<80xi32, #tpu.memory_space<vmem>>
      %dma_wait3A_68 = arith.constant 0 : i32
      %dma_wait3A_69 = arith.constant 0 : i32
      %dma_wait3A_70 = tpu.memref_slice %arg2[%dma_wait3A_68, %dma_wait3A_69] : memref<10000x128xf32, #tpu.memory_space<hbm>> -> memref<10000x128xf32, #tpu.memory_space<hbm>>
      tpu.wait_indirect_dma semaphore(%arg15 : memref<!tpu.dma_semaphore, #tpu.memory_space<semaphore_mem>>) src(%dma_wait3A_70 : memref<10000x128xf32, #tpu.memory_space<hbm>>) dst(%arg12 : memref<80x128xf32, #tpu.memory_space<vmem>>)
      %add3A_71 = arith.constant 1 : i32
      %add3A_72 = arith.addi %mul3A_63, %add3A_71 : i32
      %dma_start3A_73 = arith.constant 0 : i32
      %dma_start3A_74 = tpu.memref_slice %arg10[%add3A_72, %dma_start3A_73] : memref<125x80xi32, #tpu.memory_space<vmem>> -> memref<1x80xi32, #tpu.memory_space<vmem>>
      %dma_start3A_75 = tpu.memref_squeeze %dma_start3A_74 : memref<1x80xi32, #tpu.memory_space<vmem>> -> memref<80xi32, #tpu.memory_space<vmem>>
      %dma_start3A_76 = arith.constant 0 : i32
      %dma_start3A_77 = arith.constant 0 : i32
      %dma_start3A_78 = tpu.memref_slice %arg2[%dma_start3A_76, %dma_start3A_77] : memref<10000x128xf32, #tpu.memory_space<hbm>> -> memref<10000x128xf32, #tpu.memory_space<hbm>>
      tpu.enqueue_indirect_dma source(%dma_start3A_78 : memref<10000x128xf32, #tpu.memory_space<hbm>>) target(%arg13 : memref<80x128xf32, #tpu.memory_space<vmem>>) offsets(%dma_start3A_75 : memref<80xi32, #tpu.memory_space<vmem>>) semaphore(%arg16 : memref<!tpu.dma_semaphore, #tpu.memory_space<semaphore_mem>>)
      "tpu.region"() ({
        %run_scoped3A_96 = tpu.sem_alloc : memref<!tpu.dma_semaphore, #tpu.memory_space<semaphore_mem>>
        %dma_start3A_97 = arith.constant 0 : i32
        %dma_start3A_98 = tpu.memref_slice %arg11[%mul3A_63, %dma_start3A_97] : memref<125x80xi32, #tpu.memory_space<vmem>> -> memref<1x80xi32, #tpu.memory_space<vmem>>
        %dma_start3A_99 = tpu.memref_squeeze %dma_start3A_98 : memref<1x80xi32, #tpu.memory_space<vmem>> -> memref<80xi32, #tpu.memory_space<vmem>>
        %dma_start3A_100 = arith.constant 0 : i32
        %dma_start3A_101 = arith.constant 0 : i32
        %dma_start3A_102 = tpu.memref_slice %arg14[%dma_start3A_100, %dma_start3A_101] : memref<10000x128xf32, #tpu.memory_space<vmem_shared>> -> memref<10000x128xf32, #tpu.memory_space<vmem_shared>>
        tpu.enqueue_indirect_dma source(%arg12 : memref<80x128xf32, #tpu.memory_space<vmem>>) target(%dma_start3A_102 : memref<10000x128xf32, #tpu.memory_space<vmem_shared>>) offsets(%dma_start3A_99 : memref<80xi32, #tpu.memory_space<vmem>>) semaphore(%run_scoped3A_96 : memref<!tpu.dma_semaphore, #tpu.memory_space<semaphore_mem>>) {add = true}
        %dma_wait3A_103 = arith.constant 0 : i32
        %dma_wait3A_104 = tpu.memref_slice %arg11[%mul3A_63, %dma_wait3A_103] : memref<125x80xi32, #tpu.memory_space<vmem>> -> memref<1x80xi32, #tpu.memory_space<vmem>>
        %dma_wait3A_105 = tpu.memref_squeeze %dma_wait3A_104 : memref<1x80xi32, #tpu.memory_space<vmem>> -> memref<80xi32, #tpu.memory_space<vmem>>
        %dma_wait3A_106 = arith.constant 0 : i32
        %dma_wait3A_107 = arith.constant 0 : i32
        %dma_wait3A_108 = tpu.memref_slice %arg14[%dma_wait3A_106, %dma_wait3A_107] : memref<10000x128xf32, #tpu.memory_space<vmem_shared>> -> memref<10000x128xf32, #tpu.memory_space<vmem_shared>>
        tpu.wait_indirect_dma semaphore(%run_scoped3A_96 : memref<!tpu.dma_semaphore, #tpu.memory_space<semaphore_mem>>) src(%arg12 : memref<80x128xf32, #tpu.memory_space<vmem>>) dst(%dma_wait3A_108 : memref<10000x128xf32, #tpu.memory_space<vmem_shared>>)
        tpu.yield
      }) : () -> ()
      "tpu.region"() ({
        %run_scoped3A_96 = tpu.sem_alloc : memref<!tpu.dma_semaphore, #tpu.memory_space<semaphore_mem>>
        %dma_start3A_97 = arith.constant 0 : i32
        %dma_start3A_98 = tpu.memref_slice %arg11[%mul3A_63, %dma_start3A_97] : memref<125x80xi32, #tpu.memory_space<vmem>> -> memref<1x80xi32, #tpu.memory_space<vmem>>
        %dma_start3A_99 = tpu.memref_squeeze %dma_start3A_98 : memref<1x80xi32, #tpu.memory_space<vmem>> -> memref<80xi32, #tpu.memory_space<vmem>>
        %dma_start3A_100 = arith.constant 0 : i32
        %dma_start3A_101 = tpu.memref_slice %arg18[%dma_start3A_100] : memref<10000xf32, #tpu.memory_space<vmem_shared>> -> memref<10000xf32, #tpu.memory_space<vmem_shared>>
        tpu.enqueue_indirect_dma source(%arg17 : memref<80xf32, #tpu.memory_space<vmem>>) target(%dma_start3A_101 : memref<10000xf32, #tpu.memory_space<vmem_shared>>) offsets(%dma_start3A_99 : memref<80xi32, #tpu.memory_space<vmem>>) semaphore(%run_scoped3A_96 : memref<!tpu.dma_semaphore, #tpu.memory_space<semaphore_mem>>) {add = true}
        %dma_wait3A_102 = arith.constant 0 : i32
        %dma_wait3A_103 = tpu.memref_slice %arg11[%mul3A_63, %dma_wait3A_102] : memref<125x80xi32, #tpu.memory_space<vmem>> -> memref<1x80xi32, #tpu.memory_space<vmem>>
        %dma_wait3A_104 = tpu.memref_squeeze %dma_wait3A_103 : memref<1x80xi32, #tpu.memory_space<vmem>> -> memref<80xi32, #tpu.memory_space<vmem>>
        %dma_wait3A_105 = arith.constant 0 : i32
        %dma_wait3A_106 = tpu.memref_slice %arg18[%dma_wait3A_105] : memref<10000xf32, #tpu.memory_space<vmem_shared>> -> memref<10000xf32, #tpu.memory_space<vmem_shared>>
        tpu.wait_indirect_dma semaphore(%run_scoped3A_96 : memref<!tpu.dma_semaphore, #tpu.memory_space<semaphore_mem>>) src(%arg17 : memref<80xf32, #tpu.memory_space<vmem>>) dst(%dma_wait3A_106 : memref<10000xf32, #tpu.memory_space<vmem_shared>>)
        tpu.yield
      }) : () -> ()
      %dma_wait3A_79 = arith.constant 0 : i32
      %dma_wait3A_80 = arith.constant 0 : i32
      %dma_wait3A_81 = tpu.memref_slice %arg10[%dma_wait3A_79, %dma_wait3A_80] : memref<125x80xi32, #tpu.memory_space<vmem>> -> memref<1x80xi32, #tpu.memory_space<vmem>>
      %dma_wait3A_82 = tpu.memref_squeeze %dma_wait3A_81 : memref<1x80xi32, #tpu.memory_space<vmem>> -> memref<80xi32, #tpu.memory_space<vmem>>
      %dma_wait3A_83 = arith.constant 0 : i32
      %dma_wait3A_84 = arith.constant 0 : i32
      %dma_wait3A_85 = tpu.memref_slice %arg2[%dma_wait3A_83, %dma_wait3A_84] : memref<10000x128xf32, #tpu.memory_space<hbm>> -> memref<10000x128xf32, #tpu.memory_space<hbm>>
      tpu.wait_indirect_dma semaphore(%arg16 : memref<!tpu.dma_semaphore, #tpu.memory_space<semaphore_mem>>) src(%dma_wait3A_85 : memref<10000x128xf32, #tpu.memory_space<hbm>>) dst(%arg13 : memref<80x128xf32, #tpu.memory_space<vmem>>)
      %add3A_86 = arith.constant 2 : i32
      %add3A_87 = arith.addi %mul3A_63, %add3A_86 : i32
      %dma_start3A_88 = arith.constant 0 : i32
      %dma_start3A_89 = tpu.memref_slice %arg10[%add3A_87, %dma_start3A_88] : memref<125x80xi32, #tpu.memory_space<vmem>> -> memref<1x80xi32, #tpu.memory_space<vmem>>
      %dma_start3A_90 = tpu.memref_squeeze %dma_start3A_89 : memref<1x80xi32, #tpu.memory_space<vmem>> -> memref<80xi32, #tpu.memory_space<vmem>>
      %dma_start3A_91 = arith.constant 0 : i32
      %dma_start3A_92 = arith.constant 0 : i32
      %dma_start3A_93 = tpu.memref_slice %arg2[%dma_start3A_91, %dma_start3A_92] : memref<10000x128xf32, #tpu.memory_space<hbm>> -> memref<10000x128xf32, #tpu.memory_space<hbm>>
      tpu.enqueue_indirect_dma source(%dma_start3A_93 : memref<10000x128xf32, #tpu.memory_space<hbm>>) target(%arg12 : memref<80x128xf32, #tpu.memory_space<vmem>>) offsets(%dma_start3A_90 : memref<80xi32, #tpu.memory_space<vmem>>) semaphore(%arg15 : memref<!tpu.dma_semaphore, #tpu.memory_space<semaphore_mem>>)
      %add3A_94 = arith.constant 1 : i32
      %add3A_95 = arith.addi %mul3A_63, %add3A_94 : i32
      "tpu.region"() ({
        %run_scoped3A_96 = tpu.sem_alloc : memref<!tpu.dma_semaphore, #tpu.memory_space<semaphore_mem>>
        %dma_start3A_97 = arith.constant 0 : i32
        %dma_start3A_98 = tpu.memref_slice %arg11[%add3A_95, %dma_start3A_97] : memref<125x80xi32, #tpu.memory_space<vmem>> -> memref<1x80xi32, #tpu.memory_space<vmem>>
        %dma_start3A_99 = tpu.memref_squeeze %dma_start3A_98 : memref<1x80xi32, #tpu.memory_space<vmem>> -> memref<80xi32, #tpu.memory_space<vmem>>
        %dma_start3A_100 = arith.constant 0 : i32
        %dma_start3A_101 = arith.constant 0 : i32
        %dma_start3A_102 = tpu.memref_slice %arg14[%dma_start3A_100, %dma_start3A_101] : memref<10000x128xf32, #tpu.memory_space<vmem_shared>> -> memref<10000x128xf32, #tpu.memory_space<vmem_shared>>
        tpu.enqueue_indirect_dma source(%arg13 : memref<80x128xf32, #tpu.memory_space<vmem>>) target(%dma_start3A_102 : memref<10000x128xf32, #tpu.memory_space<vmem_shared>>) offsets(%dma_start3A_99 : memref<80xi32, #tpu.memory_space<vmem>>) semaphore(%run_scoped3A_96 : memref<!tpu.dma_semaphore, #tpu.memory_space<semaphore_mem>>) {add = true}
        %dma_wait3A_103 = arith.constant 0 : i32
        %dma_wait3A_104 = tpu.memref_slice %arg11[%add3A_95, %dma_wait3A_103] : memref<125x80xi32, #tpu.memory_space<vmem>> -> memref<1x80xi32, #tpu.memory_space<vmem>>
        %dma_wait3A_105 = tpu.memref_squeeze %dma_wait3A_104 : memref<1x80xi32, #tpu.memory_space<vmem>> -> memref<80xi32, #tpu.memory_space<vmem>>
        %dma_wait3A_106 = arith.constant 0 : i32
        %dma_wait3A_107 = arith.constant 0 : i32
        %dma_wait3A_108 = tpu.memref_slice %arg14[%dma_wait3A_106, %dma_wait3A_107] : memref<10000x128xf32, #tpu.memory_space<vmem_shared>> -> memref<10000x128xf32, #tpu.memory_space<vmem_shared>>
        tpu.wait_indirect_dma semaphore(%run_scoped3A_96 : memref<!tpu.dma_semaphore, #tpu.memory_space<semaphore_mem>>) src(%arg13 : memref<80x128xf32, #tpu.memory_space<vmem>>) dst(%dma_wait3A_108 : memref<10000x128xf32, #tpu.memory_space<vmem_shared>>)
        tpu.yield
      }) : () -> ()
      "tpu.region"() ({
        %run_scoped3A_96 = tpu.sem_alloc : memref<!tpu.dma_semaphore, #tpu.memory_space<semaphore_mem>>
        %dma_start3A_97 = arith.constant 0 : i32
        %dma_start3A_98 = tpu.memref_slice %arg11[%add3A_95, %dma_start3A_97] : memref<125x80xi32, #tpu.memory_space<vmem>> -> memref<1x80xi32, #tpu.memory_space<vmem>>
        %dma_start3A_99 = tpu.memref_squeeze %dma_start3A_98 : memref<1x80xi32, #tpu.memory_space<vmem>> -> memref<80xi32, #tpu.memory_space<vmem>>
        %dma_start3A_100 = arith.constant 0 : i32
        %dma_start3A_101 = tpu.memref_slice %arg18[%dma_start3A_100] : memref<10000xf32, #tpu.memory_space<vmem_shared>> -> memref<10000xf32, #tpu.memory_space<vmem_shared>>
        tpu.enqueue_indirect_dma source(%arg17 : memref<80xf32, #tpu.memory_space<vmem>>) target(%dma_start3A_101 : memref<10000xf32, #tpu.memory_space<vmem_shared>>) offsets(%dma_start3A_99 : memref<80xi32, #tpu.memory_space<vmem>>) semaphore(%run_scoped3A_96 : memref<!tpu.dma_semaphore, #tpu.memory_space<semaphore_mem>>) {add = true}
        %dma_wait3A_102 = arith.constant 0 : i32
        %dma_wait3A_103 = tpu.memref_slice %arg11[%add3A_95, %dma_wait3A_102] : memref<125x80xi32, #tpu.memory_space<vmem>> -> memref<1x80xi32, #tpu.memory_space<vmem>>
        %dma_wait3A_104 = tpu.memref_squeeze %dma_wait3A_103 : memref<1x80xi32, #tpu.memory_space<vmem>> -> memref<80xi32, #tpu.memory_space<vmem>>
        %dma_wait3A_105 = arith.constant 0 : i32
        %dma_wait3A_106 = tpu.memref_slice %arg18[%dma_wait3A_105] : memref<10000xf32, #tpu.memory_space<vmem_shared>> -> memref<10000xf32, #tpu.memory_space<vmem_shared>>
        tpu.wait_indirect_dma semaphore(%run_scoped3A_96 : memref<!tpu.dma_semaphore, #tpu.memory_space<semaphore_mem>>) src(%arg17 : memref<80xf32, #tpu.memory_space<vmem>>) dst(%dma_wait3A_106 : memref<10000xf32, #tpu.memory_space<vmem_shared>>)
        tpu.yield
      }) : () -> ()
    }
    %scan3A_47 = arith.constant 62 : i32
    %dma_wait3A = arith.constant 0 : i32
    %dma_wait3A_48 = arith.constant 0 : i32
    %dma_wait3A_49 = tpu.memref_slice %arg10[%dma_wait3A, %dma_wait3A_48] : memref<125x80xi32, #tpu.memory_space<vmem>> -> memref<1x80xi32, #tpu.memory_space<vmem>>
    %dma_wait3A_50 = tpu.memref_squeeze %dma_wait3A_49 : memref<1x80xi32, #tpu.memory_space<vmem>> -> memref<80xi32, #tpu.memory_space<vmem>>
    %dma_wait3A_51 = arith.constant 0 : i32
    %dma_wait3A_52 = arith.constant 0 : i32
    %dma_wait3A_53 = tpu.memref_slice %arg2[%dma_wait3A_51, %dma_wait3A_52] : memref<10000x128xf32, #tpu.memory_space<hbm>> -> memref<10000x128xf32, #tpu.memory_space<hbm>>
    tpu.wait_indirect_dma semaphore(%arg15 : memref<!tpu.dma_semaphore, #tpu.memory_space<semaphore_mem>>) src(%dma_wait3A_53 : memref<10000x128xf32, #tpu.memory_space<hbm>>) dst(%arg12 : memref<80x128xf32, #tpu.memory_space<vmem>>)
    %run_scoped3A = arith.constant 124 : i32
    "tpu.region"() ({
      %run_scoped3A_61 = tpu.sem_alloc : memref<!tpu.dma_semaphore, #tpu.memory_space<semaphore_mem>>
      %dma_start3A_62 = arith.constant 0 : i32
      %dma_start3A_63 = tpu.memref_slice %arg11[%run_scoped3A, %dma_start3A_62] : memref<125x80xi32, #tpu.memory_space<vmem>> -> memref<1x80xi32, #tpu.memory_space<vmem>>
      %dma_start3A_64 = tpu.memref_squeeze %dma_start3A_63 : memref<1x80xi32, #tpu.memory_space<vmem>> -> memref<80xi32, #tpu.memory_space<vmem>>
      %dma_start3A_65 = arith.constant 0 : i32
      %dma_start3A_66 = arith.constant 0 : i32
      %dma_start3A_67 = tpu.memref_slice %arg14[%dma_start3A_65, %dma_start3A_66] : memref<10000x128xf32, #tpu.memory_space<vmem_shared>> -> memref<10000x128xf32, #tpu.memory_space<vmem_shared>>
      tpu.enqueue_indirect_dma source(%arg12 : memref<80x128xf32, #tpu.memory_space<vmem>>) target(%dma_start3A_67 : memref<10000x128xf32, #tpu.memory_space<vmem_shared>>) offsets(%dma_start3A_64 : memref<80xi32, #tpu.memory_space<vmem>>) semaphore(%run_scoped3A_61 : memref<!tpu.dma_semaphore, #tpu.memory_space<semaphore_mem>>) {add = true}
      %dma_wait3A_68 = arith.constant 0 : i32
      %dma_wait3A_69 = tpu.memref_slice %arg11[%run_scoped3A, %dma_wait3A_68] : memref<125x80xi32, #tpu.memory_space<vmem>> -> memref<1x80xi32, #tpu.memory_space<vmem>>
      %dma_wait3A_70 = tpu.memref_squeeze %dma_wait3A_69 : memref<1x80xi32, #tpu.memory_space<vmem>> -> memref<80xi32, #tpu.memory_space<vmem>>
      %dma_wait3A_71 = arith.constant 0 : i32
      %dma_wait3A_72 = arith.constant 0 : i32
      %dma_wait3A_73 = tpu.memref_slice %arg14[%dma_wait3A_71, %dma_wait3A_72] : memref<10000x128xf32, #tpu.memory_space<vmem_shared>> -> memref<10000x128xf32, #tpu.memory_space<vmem_shared>>
      tpu.wait_indirect_dma semaphore(%run_scoped3A_61 : memref<!tpu.dma_semaphore, #tpu.memory_space<semaphore_mem>>) src(%arg12 : memref<80x128xf32, #tpu.memory_space<vmem>>) dst(%dma_wait3A_73 : memref<10000x128xf32, #tpu.memory_space<vmem_shared>>)
      tpu.yield
    }) : () -> ()
    %run_scoped3A_54 = arith.constant 124 : i32
    "tpu.region"() ({
      %run_scoped3A_61 = tpu.sem_alloc : memref<!tpu.dma_semaphore, #tpu.memory_space<semaphore_mem>>
      %dma_start3A_62 = arith.constant 0 : i32
      %dma_start3A_63 = tpu.memref_slice %arg11[%run_scoped3A_54, %dma_start3A_62] : memref<125x80xi32, #tpu.memory_space<vmem>> -> memref<1x80xi32, #tpu.memory_space<vmem>>
      %dma_start3A_64 = tpu.memref_squeeze %dma_start3A_63 : memref<1x80xi32, #tpu.memory_space<vmem>> -> memref<80xi32, #tpu.memory_space<vmem>>
      %dma_start3A_65 = arith.constant 0 : i32
      %dma_start3A_66 = tpu.memref_slice %arg18[%dma_start3A_65] : memref<10000xf32, #tpu.memory_space<vmem_shared>> -> memref<10000xf32, #tpu.memory_space<vmem_shared>>
      tpu.enqueue_indirect_dma source(%arg17 : memref<80xf32, #tpu.memory_space<vmem>>) target(%dma_start3A_66 : memref<10000xf32, #tpu.memory_space<vmem_shared>>) offsets(%dma_start3A_64 : memref<80xi32, #tpu.memory_space<vmem>>) semaphore(%run_scoped3A_61 : memref<!tpu.dma_semaphore, #tpu.memory_space<semaphore_mem>>) {add = true}
      %dma_wait3A_67 = arith.constant 0 : i32
      %dma_wait3A_68 = tpu.memref_slice %arg11[%run_scoped3A_54, %dma_wait3A_67] : memref<125x80xi32, #tpu.memory_space<vmem>> -> memref<1x80xi32, #tpu.memory_space<vmem>>
      %dma_wait3A_69 = tpu.memref_squeeze %dma_wait3A_68 : memref<1x80xi32, #tpu.memory_space<vmem>> -> memref<80xi32, #tpu.memory_space<vmem>>
      %dma_wait3A_70 = arith.constant 0 : i32
      %dma_wait3A_71 = tpu.memref_slice %arg18[%dma_wait3A_70] : memref<10000xf32, #tpu.memory_space<vmem_shared>> -> memref<10000xf32, #tpu.memory_space<vmem_shared>>
      tpu.wait_indirect_dma semaphore(%run_scoped3A_61 : memref<!tpu.dma_semaphore, #tpu.memory_space<semaphore_mem>>) src(%arg17 : memref<80xf32, #tpu.memory_space<vmem>>) dst(%dma_wait3A_71 : memref<10000xf32, #tpu.memory_space<vmem_shared>>)
      tpu.yield
    }) : () -> ()
    %barrier3A_55 = arith.constant 0 : index
    tpu.barrier barrier_id(%barrier3A_55)
    "tpu.region"() ({
      %run_scoped3A_61 = tpu.sem_alloc : memref<!tpu.dma_semaphore, #tpu.memory_space<semaphore_mem>>
      %dma_start3A_62 = arith.constant 0 : i32
      %dma_start3A_63 = tpu.memref_slice %arg7[%arg0, %multiple_of3A, %dma_start3A_62] : memref<2x10000x128xf32, #tpu.memory_space<hbm>> -> memref<1x632x128xf32, #tpu.memory_space<hbm>>
      %dma_start3A_64 = tpu.memref_squeeze %dma_start3A_63 : memref<1x632x128xf32, #tpu.memory_space<hbm>> -> memref<632x128xf32, #tpu.memory_space<hbm>>
      %dma_start3A_65 = arith.constant 0 : i32
      %dma_start3A_66 = tpu.memref_slice %arg14[%multiple_of3A, %dma_start3A_65] : memref<10000x128xf32, #tpu.memory_space<vmem_shared>> -> memref<632x128xf32, #tpu.memory_space<vmem_shared>>
      tpu.enqueue_dma source(%dma_start3A_66 : memref<632x128xf32, #tpu.memory_space<vmem_shared>>) target(%dma_start3A_64 : memref<632x128xf32, #tpu.memory_space<hbm>>) target_semaphore(%run_scoped3A_61 : memref<!tpu.dma_semaphore, #tpu.memory_space<semaphore_mem>>)
      %dma_wait3A_67 = arith.constant 0 : i32
      %dma_wait3A_68 = tpu.memref_slice %arg7[%arg0, %multiple_of3A, %dma_wait3A_67] : memref<2x10000x128xf32, #tpu.memory_space<hbm>> -> memref<1x632x128xf32, #tpu.memory_space<hbm>>
      %dma_wait3A_69 = tpu.memref_squeeze %dma_wait3A_68 : memref<1x632x128xf32, #tpu.memory_space<hbm>> -> memref<632x128xf32, #tpu.memory_space<hbm>>
      %dma_wait3A_70 = arith.constant 0 : i32
      %dma_wait3A_71 = tpu.memref_slice %arg14[%multiple_of3A, %dma_wait3A_70] : memref<10000x128xf32, #tpu.memory_space<vmem_shared>> -> memref<632x128xf32, #tpu.memory_space<vmem_shared>>
      tpu.wait_dma2 semaphore(%run_scoped3A_61 : memref<!tpu.dma_semaphore, #tpu.memory_space<semaphore_mem>>) src(%dma_wait3A_71 : memref<632x128xf32, #tpu.memory_space<vmem_shared>>) dst(%dma_wait3A_69 : memref<632x128xf32, #tpu.memory_space<hbm>>)
      tpu.yield
    }) : () -> ()
    %lt3A_56 = arith.constant 10 : i32
    %lt3A_57 = arith.cmpi slt, %arg1, %lt3A_56 : i32
    %convert_element_type3A_58 = arith.extui %lt3A_57 : i1 to i32
    %cond3A_59 = arith.constant 0 : i32
    %cond3A_60 = arith.cmpi ne, %convert_element_type3A_58, %cond3A_59 : i32
    scf.if %cond3A_60 {
      "tpu.region"() ({
        %run_scoped3A_70 = tpu.sem_alloc : memref<!tpu.dma_semaphore, #tpu.memory_space<semaphore_mem>>
        %dma_start3A_71 = tpu.memref_slice %arg18[%multiple_of3A_6] : memref<10000xf32, #tpu.memory_space<vmem_shared>> -> memref<1000xf32, #tpu.memory_space<vmem_shared>>
        %dma_start3A_72 = tpu.memref_slice %arg18[%multiple_of3A_6] : memref<10000xf32, #tpu.memory_space<vmem_shared>> -> memref<1000xf32, #tpu.memory_space<vmem_shared>>
        tpu.enqueue_dma source(%dma_start3A_72 : memref<1000xf32, #tpu.memory_space<vmem_shared>>) target(%arg19 : memref<1000xf32, #tpu.memory_space<vmem>>) target_semaphore(%run_scoped3A_70 : memref<!tpu.dma_semaphore, #tpu.memory_space<semaphore_mem>>)
        %dma_wait3A_73 = tpu.memref_slice %arg18[%multiple_of3A_6] : memref<10000xf32, #tpu.memory_space<vmem_shared>> -> memref<1000xf32, #tpu.memory_space<vmem_shared>>
        %dma_wait3A_74 = tpu.memref_slice %arg18[%multiple_of3A_6] : memref<10000xf32, #tpu.memory_space<vmem_shared>> -> memref<1000xf32, #tpu.memory_space<vmem_shared>>
        tpu.wait_dma2 semaphore(%run_scoped3A_70 : memref<!tpu.dma_semaphore, #tpu.memory_space<semaphore_mem>>) src(%dma_wait3A_74 : memref<1000xf32, #tpu.memory_space<vmem_shared>>) dst(%arg19 : memref<1000xf32, #tpu.memory_space<vmem>>)
        tpu.yield
      }) : () -> ()
      %eq3A = arith.constant 0 : i32
      %eq3A_61 = arith.cmpi eq, %arg0, %eq3A : i32
      %convert_element_type3A_62 = arith.extui %eq3A_61 : i1 to i32
      %cond3A_63 = arith.constant 0 : i32
      %cond3A_64 = arith.cmpi ne, %convert_element_type3A_62, %cond3A_63 : i32
      scf.if %cond3A_64 {
        "tpu.region"() ({
          %run_scoped3A_70 = tpu.sem_alloc : memref<!tpu.dma_semaphore, #tpu.memory_space<semaphore_mem>>
          %dma_start3A_71 = tpu.memref_slice %arg8[%multiple_of3A_6] : memref<10000xf32, #tpu.memory_space<hbm>> -> memref<1000xf32, #tpu.memory_space<hbm>>
          %dma_start3A_72 = tpu.memref_slice %arg8[%multiple_of3A_6] : memref<10000xf32, #tpu.memory_space<hbm>> -> memref<1000xf32, #tpu.memory_space<hbm>>
          tpu.enqueue_dma source(%arg19 : memref<1000xf32, #tpu.memory_space<vmem>>) target(%dma_start3A_72 : memref<1000xf32, #tpu.memory_space<hbm>>) target_semaphore(%run_scoped3A_70 : memref<!tpu.dma_semaphore, #tpu.memory_space<semaphore_mem>>)
          %dma_wait3A_73 = tpu.memref_slice %arg8[%multiple_of3A_6] : memref<10000xf32, #tpu.memory_space<hbm>> -> memref<1000xf32, #tpu.memory_space<hbm>>
          %dma_wait3A_74 = tpu.memref_slice %arg8[%multiple_of3A_6] : memref<10000xf32, #tpu.memory_space<hbm>> -> memref<1000xf32, #tpu.memory_space<hbm>>
          tpu.wait_dma2 semaphore(%run_scoped3A_70 : memref<!tpu.dma_semaphore, #tpu.memory_space<semaphore_mem>>) src(%arg19 : memref<1000xf32, #tpu.memory_space<vmem>>) dst(%dma_wait3A_74 : memref<1000xf32, #tpu.memory_space<hbm>>)
          tpu.yield
        }) : () -> ()
      } else {
      }
      %eq3A_65 = arith.constant 1 : i32
      %eq3A_66 = arith.cmpi eq, %arg0, %eq3A_65 : i32
      %convert_element_type3A_67 = arith.extui %eq3A_66 : i1 to i32
      %cond3A_68 = arith.constant 0 : i32
      %cond3A_69 = arith.cmpi ne, %convert_element_type3A_67, %cond3A_68 : i32
      scf.if %cond3A_69 {
        "tpu.region"() ({
          %run_scoped3A_70 = tpu.sem_alloc : memref<!tpu.dma_semaphore, #tpu.memory_space<semaphore_mem>>
          %dma_start3A_71 = tpu.memref_slice %arg9[%multiple_of3A_6] : memref<10000xf32, #tpu.memory_space<hbm>> -> memref<1000xf32, #tpu.memory_space<hbm>>
          %dma_start3A_72 = tpu.memref_slice %arg9[%multiple_of3A_6] : memref<10000xf32, #tpu.memory_space<hbm>> -> memref<1000xf32, #tpu.memory_space<hbm>>
          tpu.enqueue_dma source(%arg19 : memref<1000xf32, #tpu.memory_space<vmem>>) target(%dma_start3A_72 : memref<1000xf32, #tpu.memory_space<hbm>>) target_semaphore(%run_scoped3A_70 : memref<!tpu.dma_semaphore, #tpu.memory_space<semaphore_mem>>)
          %dma_wait3A_73 = tpu.memref_slice %arg9[%multiple_of3A_6] : memref<10000xf32, #tpu.memory_space<hbm>> -> memref<1000xf32, #tpu.memory_space<hbm>>
          %dma_wait3A_74 = tpu.memref_slice %arg9[%multiple_of3A_6] : memref<10000xf32, #tpu.memory_space<hbm>> -> memref<1000xf32, #tpu.memory_space<hbm>>
          tpu.wait_dma2 semaphore(%run_scoped3A_70 : memref<!tpu.dma_semaphore, #tpu.memory_space<semaphore_mem>>) src(%arg19 : memref<1000xf32, #tpu.memory_space<vmem>>) dst(%dma_wait3A_74 : memref<1000xf32, #tpu.memory_space<hbm>>)
          tpu.yield
        }) : () -> ()
      } else {
      }
    } else {
    }
    return
  }
}

module attributes {stable_mosaic.version = 14 : i64} {
  func.func @_stage1_body(%arg0: memref<10000x128xf32, #tpu.memory_space<vmem>>, %arg1: memref<10000x128xf32, #tpu.memory_space<vmem>>, %arg2: memref<10000x1xf32, #tpu.memory_space<vmem>>, %arg3: memref<128x64xf32, #tpu.memory_space<vmem>>, %arg4: memref<1x64xf32, #tpu.memory_space<vmem>>, %arg5: memref<64x64xf32, #tpu.memory_space<vmem>>, %arg6: memref<1x64xf32, #tpu.memory_space<vmem>>, %arg7: memref<10000x64xf32, #tpu.memory_space<vmem>>) attributes {dimension_semantics = [], scalar_prefetch = 0 : i64, scratch_operands = 0 : i64, tpu.core_type = #tpu.core_type<tc>} {
    %get3A = arith.constant 0 : index
    %get3A_0 = arith.constant 0 : index
    %get3A_1 = vector.load %arg0[%get3A, %get3A_0] : memref<10000x128xf32, #tpu.memory_space<vmem>>, vector<10000x128xf32>
    %get3A_2 = arith.constant 0 : index
    %get3A_3 = arith.constant 0 : index
    %get3A_4 = vector.load %arg1[%get3A_2, %get3A_3] : memref<10000x128xf32, #tpu.memory_space<vmem>>, vector<10000x128xf32>
    %add3A = arith.addf %get3A_1, %get3A_4 : vector<10000x128xf32>
    %get3A_5 = arith.constant 0 : index
    %get3A_6 = arith.constant 0 : index
    %get3A_7 = vector.load %arg2[%get3A_5, %get3A_6] : memref<10000x1xf32, #tpu.memory_space<vmem>>, vector<10000x1xf32>
    %div3A = vector.broadcast %get3A_7 : vector<10000x1xf32> to vector<10000x128xf32>
    %div3A_8 = arith.divf %add3A, %div3A : vector<10000x128xf32>
    %get3A_9 = arith.constant 0 : index
    %get3A_10 = arith.constant 0 : index
    %get3A_11 = vector.load %arg3[%get3A_9, %get3A_10] : memref<128x64xf32, #tpu.memory_space<vmem>>, vector<128x64xf32>
    %convert_element_type3A = arith.truncf %div3A_8 : vector<10000x128xf32> to vector<10000x128xbf16>
    %convert_element_type3A_12 = arith.truncf %get3A_11 : vector<128x64xf32> to vector<128x64xbf16>
    %dot_general3A = arith.constant dense<0.000000e+00> : vector<10000x64xf32>
    %dot_general3A_13 = tpu.matmul %convert_element_type3A, %convert_element_type3A_12, %dot_general3A {dimension_numbers = #tpu.dot_dimension_numbers<[1], [0], [0], [1], [0, 0, 1, 1], [], []>, transpose_lhs_hint = false} : vector<10000x128xbf16>, vector<128x64xbf16>, vector<10000x64xf32> -> vector<10000x64xf32>
    %get3A_14 = arith.constant 0 : index
    %get3A_15 = arith.constant 0 : index
    %get3A_16 = vector.load %arg4[%get3A_14, %get3A_15] : memref<1x64xf32, #tpu.memory_space<vmem>>, vector<1x64xf32>
    %add3A_17 = vector.broadcast %get3A_16 : vector<1x64xf32> to vector<10000x64xf32>
    %add3A_18 = arith.addf %dot_general3A_13, %add3A_17 : vector<10000x64xf32>
    %max3A = arith.constant 0.000000e+00 : f32
    %max3A_19 = vector.broadcast %max3A : f32 to vector<10000x64xf32>
    %max3A_20 = arith.maximumf %add3A_18, %max3A_19 : vector<10000x64xf32>
    %get3A_21 = arith.constant 0 : index
    %get3A_22 = arith.constant 0 : index
    %get3A_23 = vector.load %arg5[%get3A_21, %get3A_22] : memref<64x64xf32, #tpu.memory_space<vmem>>, vector<64x64xf32>
    %convert_element_type3A_24 = arith.truncf %max3A_20 : vector<10000x64xf32> to vector<10000x64xbf16>
    %convert_element_type3A_25 = arith.truncf %get3A_23 : vector<64x64xf32> to vector<64x64xbf16>
    %dot_general3A_26 = arith.constant dense<0.000000e+00> : vector<10000x64xf32>
    %dot_general3A_27 = tpu.matmul %convert_element_type3A_24, %convert_element_type3A_25, %dot_general3A_26 {dimension_numbers = #tpu.dot_dimension_numbers<[1], [0], [0], [1], [0, 0, 1, 1], [], []>, transpose_lhs_hint = false} : vector<10000x64xbf16>, vector<64x64xbf16>, vector<10000x64xf32> -> vector<10000x64xf32>
    %get3A_28 = arith.constant 0 : index
    %get3A_29 = arith.constant 0 : index
    %get3A_30 = vector.load %arg6[%get3A_28, %get3A_29] : memref<1x64xf32, #tpu.memory_space<vmem>>, vector<1x64xf32>
    %add3A_31 = vector.broadcast %get3A_30 : vector<1x64xf32> to vector<10000x64xf32>
    %add3A_32 = arith.addf %dot_general3A_27, %add3A_31 : vector<10000x64xf32>
    %reduce_max3A = arith.constant dense<0xFF800000> : vector<10000xf32>
    %reduce_max3A_33 = vector.multi_reduction <maximumf>, %add3A_32, %reduce_max3A [1] : vector<10000x64xf32> to vector<10000xf32>
    %broadcast_in_dim3A = vector.shape_cast %reduce_max3A_33 : vector<10000xf32> to vector<10000x1xf32>
    %sub3A = vector.broadcast %broadcast_in_dim3A : vector<10000x1xf32> to vector<10000x64xf32>
    %sub3A_34 = arith.subf %add3A_32, %sub3A : vector<10000x64xf32>
    %exp3A = math.exp %sub3A_34 : vector<10000x64xf32>
    %reduce_sum3A = arith.constant dense<0.000000e+00> : vector<10000xf32>
    %reduce_sum3A_35 = vector.multi_reduction <add>, %exp3A, %reduce_sum3A [1] : vector<10000x64xf32> to vector<10000xf32>
    %broadcast_in_dim3A_36 = vector.shape_cast %reduce_sum3A_35 : vector<10000xf32> to vector<10000x1xf32>
    %div3A_37 = vector.broadcast %broadcast_in_dim3A_36 : vector<10000x1xf32> to vector<10000x64xf32>
    %div3A_38 = arith.divf %exp3A, %div3A_37 : vector<10000x64xf32>
    %swap3A = arith.constant 0 : index
    %swap3A_39 = arith.constant 0 : index
    %swap3A_40 = vector.load %arg7[%swap3A, %swap3A_39] : memref<10000x64xf32, #tpu.memory_space<vmem>>, vector<10000x64xf32>
    tpu.vector_store %arg7[%swap3A, %swap3A_39], %div3A_38 {strides = array<i32>} : memref<10000x64xf32, #tpu.memory_space<vmem>>, vector<10000x64xf32>,
    return
  }
}

module attributes {stable_mosaic.version = 14 : i64} {
  func.func @_stage2_body(%arg0: memref<10000x64xf32, #tpu.memory_space<vmem>>, %arg1: memref<10000x64xf32, #tpu.memory_space<vmem>>, %arg2: memref<10000x1xf32, #tpu.memory_space<vmem>>, %arg3: memref<1x64xf32, #tpu.memory_space<vmem>>, %arg4: memref<64x64xf32, #tpu.memory_space<vmem>>, %arg5: memref<64x64xf32, #tpu.memory_space<vmem>>, %arg6: memref<1x64xf32, #tpu.memory_space<vmem>>, %arg7: memref<10000x64xf32, #tpu.memory_space<vmem>>) attributes {dimension_semantics = [], scalar_prefetch = 0 : i64, scratch_operands = 0 : i64, tpu.core_type = #tpu.core_type<tc>} {
    %get3A = arith.constant 0 : index
    %get3A_0 = arith.constant 0 : index
    %get3A_1 = vector.load %arg0[%get3A, %get3A_0] : memref<10000x64xf32, #tpu.memory_space<vmem>>, vector<10000x64xf32>
    %get3A_2 = arith.constant 0 : index
    %get3A_3 = arith.constant 0 : index
    %get3A_4 = vector.load %arg1[%get3A_2, %get3A_3] : memref<10000x64xf32, #tpu.memory_space<vmem>>, vector<10000x64xf32>
    %add3A = arith.addf %get3A_1, %get3A_4 : vector<10000x64xf32>
    %get3A_5 = arith.constant 0 : index
    %get3A_6 = arith.constant 0 : index
    %get3A_7 = vector.load %arg2[%get3A_5, %get3A_6] : memref<10000x1xf32, #tpu.memory_space<vmem>>, vector<10000x1xf32>
    %div3A = vector.broadcast %get3A_7 : vector<10000x1xf32> to vector<10000x64xf32>
    %div3A_8 = arith.divf %add3A, %div3A : vector<10000x64xf32>
    %get3A_9 = arith.constant 0 : index
    %get3A_10 = arith.constant 0 : index
    %get3A_11 = vector.load %arg4[%get3A_9, %get3A_10] : memref<64x64xf32, #tpu.memory_space<vmem>>, vector<64x64xf32>
    %convert_element_type3A = arith.truncf %div3A_8 : vector<10000x64xf32> to vector<10000x64xbf16>
    %convert_element_type3A_12 = arith.truncf %get3A_11 : vector<64x64xf32> to vector<64x64xbf16>
    %dot_general3A = arith.constant dense<0.000000e+00> : vector<10000x64xf32>
    %dot_general3A_13 = tpu.matmul %convert_element_type3A, %convert_element_type3A_12, %dot_general3A {dimension_numbers = #tpu.dot_dimension_numbers<[1], [0], [0], [1], [0, 0, 1, 1], [], []>, transpose_lhs_hint = false} : vector<10000x64xbf16>, vector<64x64xbf16>, vector<10000x64xf32> -> vector<10000x64xf32>
    %get3A_14 = arith.constant 0 : index
    %get3A_15 = arith.constant 0 : index
    %get3A_16 = vector.load %arg3[%get3A_14, %get3A_15] : memref<1x64xf32, #tpu.memory_space<vmem>>, vector<1x64xf32>
    %add3A_17 = vector.broadcast %get3A_16 : vector<1x64xf32> to vector<10000x64xf32>
    %add3A_18 = arith.addf %dot_general3A_13, %add3A_17 : vector<10000x64xf32>
    %max3A = arith.constant 0.000000e+00 : f32
    %max3A_19 = vector.broadcast %max3A : f32 to vector<10000x64xf32>
    %max3A_20 = arith.maximumf %add3A_18, %max3A_19 : vector<10000x64xf32>
    %get3A_21 = arith.constant 0 : index
    %get3A_22 = arith.constant 0 : index
    %get3A_23 = vector.load %arg5[%get3A_21, %get3A_22] : memref<64x64xf32, #tpu.memory_space<vmem>>, vector<64x64xf32>
    %convert_element_type3A_24 = arith.truncf %max3A_20 : vector<10000x64xf32> to vector<10000x64xbf16>
    %convert_element_type3A_25 = arith.truncf %get3A_23 : vector<64x64xf32> to vector<64x64xbf16>
    %dot_general3A_26 = arith.constant dense<0.000000e+00> : vector<10000x64xf32>
    %dot_general3A_27 = tpu.matmul %convert_element_type3A_24, %convert_element_type3A_25, %dot_general3A_26 {dimension_numbers = #tpu.dot_dimension_numbers<[1], [0], [0], [1], [0, 0, 1, 1], [], []>, transpose_lhs_hint = false} : vector<10000x64xbf16>, vector<64x64xbf16>, vector<10000x64xf32> -> vector<10000x64xf32>
    %get3A_28 = arith.constant 0 : index
    %get3A_29 = arith.constant 0 : index
    %get3A_30 = vector.load %arg6[%get3A_28, %get3A_29] : memref<1x64xf32, #tpu.memory_space<vmem>>, vector<1x64xf32>
    %add3A_31 = vector.broadcast %get3A_30 : vector<1x64xf32> to vector<10000x64xf32>
    %add3A_32 = arith.addf %dot_general3A_27, %add3A_31 : vector<10000x64xf32>
    %reduce_max3A = arith.constant dense<0xFF800000> : vector<10000xf32>
    %reduce_max3A_33 = vector.multi_reduction <maximumf>, %add3A_32, %reduce_max3A [1] : vector<10000x64xf32> to vector<10000xf32>
    %broadcast_in_dim3A = vector.shape_cast %reduce_max3A_33 : vector<10000xf32> to vector<10000x1xf32>
    %sub3A = vector.broadcast %broadcast_in_dim3A : vector<10000x1xf32> to vector<10000x64xf32>
    %sub3A_34 = arith.subf %add3A_32, %sub3A : vector<10000x64xf32>
    %exp3A = math.exp %sub3A_34 : vector<10000x64xf32>
    %reduce_sum3A = arith.constant dense<0.000000e+00> : vector<10000xf32>
    %reduce_sum3A_35 = vector.multi_reduction <add>, %exp3A, %reduce_sum3A [1] : vector<10000x64xf32> to vector<10000xf32>
    %broadcast_in_dim3A_36 = vector.shape_cast %reduce_sum3A_35 : vector<10000xf32> to vector<10000x1xf32>
    %div3A_37 = vector.broadcast %broadcast_in_dim3A_36 : vector<10000x1xf32> to vector<10000x64xf32>
    %div3A_38 = arith.divf %exp3A, %div3A_37 : vector<10000x64xf32>
    %swap3A = arith.constant 0 : index
    %swap3A_39 = arith.constant 0 : index
    %swap3A_40 = vector.load %arg7[%swap3A, %swap3A_39] : memref<10000x64xf32, #tpu.memory_space<vmem>>, vector<10000x64xf32>
    tpu.vector_store %arg7[%swap3A, %swap3A_39], %div3A_38 {strides = array<i32>} : memref<10000x64xf32, #tpu.memory_space<vmem>>, vector<10000x64xf32>,
    return
  }
}

</mosaic_0001>

<sc_bundles>
// kernel: kernel.6.cloned.1.call-start
scs
__scs_entry_jumppad:
0x0: {  	(pc) =	sbr.rel $0x88, $3  }
0x1: {  	(tag) =	ssettag $0x0;
	lr =	simm.s32 $0x1  }
0x2: {  	[smem:$0x3F93] =	sst lr;
	_ =	strace $0xD0000000  }
0x3: {  	_ = 	snop  }
0x4: {  	_ = 	snop  }
0x5: {  	_ = 	snop  }
0x6: {  	_ = 	snop  }
0x7: {  	_ = 	snop  }
__scs_overlays_trampoline_lowered:
0x8: {  	[smem:$0x3FA2] =	sst s0  }
0x9: {  	[smem:$0x3FA3] =	sst s1  }
0xa: {  	[smem:$0x3FA4] =	sst s2  }
0xb: {  	[smem:$0x3FA5] =	sst s3  }
0xc: {  	[smem:$0x3FA6] =	sst s4  }
0xd: {  	[smem:$0x3FA7] =	sst s5  }
0xe: {  	[smem:$0x3FA8] =	sst s6  }
0xf: {  	[smem:$0x3FA9] =	sst s7  }
0x10: {  	[smem:$0x3FAA] =	sst s8  }
0x11: {  	[smem:$0x3FAB] =	sst s9;
	s0 =	simm.s32 @!p0 $0x0  }
0x12: {  	s1 =	sld [smem:$0x3F91];
	s0 =	simm.s32 @p0 $0x1  }
0x13: {  	[smem:$0x3FAC] =	sst s0;
	s0 =	simm.s32 @!p1 $0x0  }
0x14: {  	s2 =	sld [smem:$0x3F90];
	s0 =	simm.s32 @p1 $0x1  }
0x15: {  	[smem:$0x3FAD] =	sst s0;
	s0 =	simm.s32 @!p2 $0x0  }
0x16: {  	s3 =	sld [smem:$0x3FDB];
	s0 =	simm.s32 @p2 $0x1  }
0x17: {  	s4 =	simm.s32 $0x1BF5;
	[smem:$0x3FAF] =	sst s0  }
0x18: {  	s0 =	sld [smem:$0x3F92];
	_ =	swait.ge [sflag:s4], $0x0  }
0x19: {  	s7 =	sld [smem:$0x3F93]  }
0x1a: {  	s8 =	sadd.s32 $0xFFFFE003, lr  }
0x1b: {  	s9 =	sadd.s32 $0xFFFFFEF7, lr;
	s5 =	simm.s32 $0xFFFFFFFF;
	p2 =	slt.u32 s8, $0xFFFFF086  }
0x1c: {  	p1 =	slt.u32 s9, $0xF7A;
	s5 =	simm.s32 @!p2 $0x0  }
0x1d: {  	s5 =	simm.s32 @p1 $0x1;
	p0 =	seq.s32 s7, s2  }
0x1e: {  	s7 =	smul.u32 @!p0 $0xF7A, s2;
	p2 =	seq.s32 @!p0 s5, $0x0  }
0x1f: {  	s9 =	smul.u32 $0xF7A, s1;
	s8 =	simm.s32 @!p0 $0x1BF5;
	p2 =	por !p2, p0  }
0x20: {  	[sflag:s8] =	ssyncset.s32 @!p0 $0xFFFFF086;
	s6 =	sadd.s32 @!p0 s3, s7;
	s7 =	simm.s32 @!p0 $0x108  }
0x21: {  	s3 =	sadd.s32 s3, s9;
	s6 =	sadd.s32 @!p0 $0x88, s6;
	s7 =	simm.s32 @p2 $0x1082  }
0x22: {  	[simem:s7], [sflag:s8] =	dma.local @!p0 [hbm:s6], $0xF7A  }
0x23: {  	s9 =	sor.u32 $0xD0000000, s2;
	s6 =	simm.s32 $0x108;
	_ =	swait.ge @!p0 [sflag:s8], $0x0  }
0x24: {  	s3 =	sadd.s32 $0x88, s3;
	s6 =	simm.s32 @!p1 $0x1082;
	[sflag:s4] =	ssyncset.s32 $0xFFFFF086  }
0x25: {  	[simem:s6], [sflag:s4] =	dma.local [hbm:s3], $0xF7A  }
0x26: {  	[smem:$0x3F93] =	sst s1;
	(tag) =	ssettag s2;
	_ =	strace s9  }
0x27: {  	s1 =	sld [smem:$0x3FA3]  }
0x28: {  	s2 =	sld [smem:$0x3FA4]  }
0x29: {  	s4 =	sld [smem:$0x3FA6]  }
0x2a: {  	p0 =	seq.s32 s5, $0x0;
	s5 =	sld [smem:$0x3FA7]  }
0x2b: {  	s6 =	sld [smem:$0x3FA8]  }
0x2c: {  	s7 =	sld [smem:$0x3FA9]  }
0x2d: {  	s3 =	simm.s32 $0x108;
	s8 =	sld [smem:$0x3FAA]  }
0x2e: {  	s3 =	simm.s32 @!p0 $0x1082;
	s9 =	sld [smem:$0x3FAB]  }
0x2f: {  	lr =	sadd.s32 s0, s3;
	s0 =	sld [smem:$0x3FA2]  }
0x30: {  	s3 =	sld [smem:$0x3FA5]  }
0x31: {  	[smem:$0x3FAE] =	sst s10  }
0x32: {  	s10 =	sld [smem:$0x3FAC];
	_ =	sdelay $0x3  }
0x33: {  	p0 =	seq.s32 s10, $0x1;
	s10 =	sld [smem:$0x3FAE];
	_ =	sdelay $0x3  }
0x34: {  	[smem:$0x3FAE] =	sst s10  }
0x35: {  	s10 =	sld [smem:$0x3FAD];
	_ =	sdelay $0x3  }
0x36: {  	p1 =	seq.s32 s10, $0x1;
	s10 =	sld [smem:$0x3FAE];
	_ =	sdelay $0x3  }
0x37: {  	[smem:$0x3FAE] =	sst s10  }
0x38: {  	s10 =	sld [smem:$0x3FAF]  }
0x39: {  	_ = 	snop;
	(pc) =	sbr.ind lr, $3  }
0x3a: {  	_ = 	snop  }
0x3b: {  	_ = 	snop  }
0x3c: {  	p2 =	seq.s32 s10, $0x1;
	s10 =	sld [smem:$0x3FAE]  }
0x3d: {  	_ =	shalt  }
0x3e: {  	_ =	shalt  }
0x3f: {  	_ =	shalt  }
0x40: {  	_ =	shalt  }
0x41: {  	_ =	shalt  }
0x42: {  	_ =	shalt  }
0x43: {  	_ =	shalt  }
0x44: {  	_ =	shalt  }
0x45: {  	_ =	shalt  }
0x46: {  	_ =	shalt  }
0x47: {  	_ =	shalt  }
0x48: {  	_ =	shalt  }
0x49: {  	_ =	shalt  }
0x4a: {  	_ =	shalt  }
0x4b: {  	_ =	shalt  }
0x4c: {  	_ =	shalt  }
0x4d: {  	_ =	shalt  }
0x4e: {  	_ =	shalt  }
0x4f: {  	_ =	shalt  }
0x50: {  	_ =	shalt  }
0x51: {  	_ =	shalt  }
0x52: {  	_ =	shalt  }
0x53: {  	_ =	shalt  }
0x54: {  	_ =	shalt  }
0x55: {  	_ =	shalt  }
0x56: {  	_ =	shalt  }
0x57: {  	_ =	shalt  }
0x58: {  	_ =	shalt  }
0x59: {  	_ =	shalt  }
0x5a: {  	_ =	shalt  }
0x5b: {  	_ =	shalt  }
0x5c: {  	_ =	shalt  }
0x5d: {  	_ =	shalt  }
0x5e: {  	_ =	shalt  }
0x5f: {  	_ =	shalt  }
0x60: {  	_ =	shalt  }
0x61: {  	_ =	shalt  }
0x62: {  	_ =	shalt  }
0x63: {  	_ =	shalt  }
0x64: {  	_ =	shalt  }
0x65: {  	_ =	shalt  }
0x66: {  	_ =	shalt  }
0x67: {  	_ =	shalt  }
0x68: {  	_ =	shalt  }
0x69: {  	_ =	shalt  }
0x6a: {  	_ =	shalt  }
0x6b: {  	_ =	shalt  }
0x6c: {  	_ =	shalt  }
0x6d: {  	_ =	shalt  }
0x6e: {  	_ =	shalt  }
0x6f: {  	_ =	shalt  }
0x70: {  	_ =	shalt  }
0x71: {  	_ =	shalt  }
0x72: {  	_ =	shalt  }
0x73: {  	_ =	shalt  }
0x74: {  	_ =	shalt  }
0x75: {  	_ =	shalt  }
0x76: {  	_ =	shalt  }
0x77: {  	_ =	shalt  }
0x78: {  	_ =	shalt  }
0x79: {  	_ =	shalt  }
0x7a: {  	_ =	shalt  }
0x7b: {  	_ =	shalt  }
0x7c: {  	_ =	shalt  }
0x7d: {  	_ =	shalt  }
0x7e: {  	_ =	shalt  }
0x7f: {  	_ =	shalt  }
0x80: {  	_ =	shalt  }
0x81: {  	_ =	shalt  }
0x82: {  	_ =	shalt  }
0x83: {  	_ =	shalt  }
0x84: {  	_ =	shalt  }
0x85: {  	_ =	shalt  }
0x86: {  	_ =	shalt  }
0x87: {  	_ =	shalt  }
.Lfunc_end0:
.L_simem_size_0:
called_computation_lowered:
.L_overlay_start_0:
0x88: {  	s2 =	sld [smem:$0x3FD9]  }
0x89: {  	s3 =	sld [smem:$0x3FFE];
	_ =	sdelay $0x1  }
0x8a: {  	s1 =	srdreg.scid  }
0x8b: {  	s0 =	sand.u32 $0x1, s1  }
0x8c: {  	s17 =	sshll.u32 s0, $0xA;
	s2 =	sadd.s32 s3, s2  }
0x8d: {  	s2 =	sadd.s32 s2, s17  }
0x8e: {  	[smem:$0x3FBA] =	sst s2  }
0x8f: {  	_ = 	snop  }
0x90: {  	s2 =	sld [smem:$0x3FC9];
	(tm) =	ssettm $0x1  }
0x91: {  	s18 =	sld [smem:$0x3FFB];
	_ =	sdelay $0x3  }
0x92: {  	_ =	strace s18  }
0x93: {  	s3 =	sld [smem:$0x3FFC];
	_ =	sdelay $0x3  }
0x94: {  	_ =	strace s3  }
0x95: {  	s3 =	sld [smem:$0x3FFD];
	_ =	sdelay $0x3  }
0x96: {  	_ =	strace s3  }
0x97: {  	_ =	strace $0x8FFFFFFF  }
0x98: {  	s19 =	sld [smem:$0x3FDB];
	_ =	sdelay $0x1  }
0x99: {  	s4 =	simm.s32 $_scs_section_size  }
0x9a: {  	s5 =	simm.s32 $_size__tile_overlayer_lowered;
	s6 =	simm.s32 $_tile_overlayer_lowered  }
0x9b: {  	s22 =	simm.s32 $0x1BFF;
	s21 =	sshll.u32 s6, $0x1;
	s3 =	sadd.s32 s4, s19  }
0x9c: {  	s7 =	simm.s32 $0x0;
	s20 =	sshll.u32 s5, $0x1;
	s5 =	sadd.s32 s21, s3  }
0x9d: {  	[timem:s7], [sflag:s22] =	dma.local [hbm:s5], s20  }
0x9e: {  	_ =	swait.ge [sflag:s22], s20  }
0x9f: {  	s4 =	ssub.s32 $0x0, s20;
	[sflag:s22] =	ssyncset.done $0x0  }
0xa0: {  	[sflag:s22] =	ssyncadd.s32 s4;
	_ =	sdelay $0x1  }
0xa1: {  	s23 =	simm.s32 $0x1B8B  }
0xa2: {  	_ =	swait.ge [sflag:s23], $0x1  }
0xa3: {  	[sflag:s23] =	ssyncset.done $0x0  }
0xa4: {  	s25 =	simm.s32 $0x1B8E;
	s24 =	sld [smem:$0x3FFE];
	[sflag:s23] =	ssyncadd.s32 $0xFFFFFFFF  }
0xa5: {  	s26 =	simm.s32 $execute0_lowered;
	[smem:$0x3FD2] =	sst s25  }
0xa6: {  	s5 =	sshll.u32 s26, $0x1;
	_ =	strace $0x80000046;
	[dreg:$0x1] =	wrdreg $0xFFFFFFFF  }
0xa7: {  	s28 =	simm.s32 $_size_execute0_lowered;
	s3 =	sadd.s32 s3, s5;
	[dreg:$0x0] =	wrdreg $0x0  }
0xa8: {  	s5 =	sshll.u32 s28, $0x1;
	[dreg:$0x2] =	wrdreg s3  }
0xa9: {  	[dreg:$0x3] =	wrdreg s5  }
0xaa: {  	[dreg:$0x4] =	wrdreg $0xC0  }
0xab: {  	_ =	task [dreg:s7], $0x5FFFF  }
0xac: {  	[dreg:$0x1] =	wrdreg $0xFFFFFFFF  }
0xad: {  	[dreg:$0x0] =	wrdreg $0x60  }
0xae: {  	[dreg:$0x2] =	wrdreg s2  }
0xaf: {  	[dreg:$0x3] =	wrdreg s24  }
0xb0: {  	[dreg:$0x4] =	wrdreg $0x9E200  }
0xb1: {  	[dreg:$0x5] =	wrdreg $0x1D6F00  }
0xb2: {  	[dreg:$0x6] =	wrdreg $0x9  }
0xb3: {  	_ =	task.clear_ibuf [dreg:s7], $0x7FFFF;
	_ =	strace $0x90000046  }
0xb4: {  	s29 =	simm.s32 $0x9;
	_ =	strace $0x80000048  }
0xb5: {  	_ =	swait.ge [sflag:s29], $0x1  }
0xb6: {  	[sflag:s29] =	ssyncadd.s32 $0xFFFFFFFF  }
0xb7: {  	_ =	strace $0x90000048  }
0xb8: {  	_ =	sfence  }
0xb9: {  	s30 =	sld [smem:$0x0];
	_ =	sdelay $0x2  }
0xba: {  	s31 =	sshll.u32 s1, $0xD;
	s1 =	sshrl.u32 s1, $0x2  }
0xbb: {  	s3 =	sand.u32 $0x4000, s31;
	s1 =	sadd.s32 s1, s30  }
0xbc: {  	s0 =	sor.u32 s3, s0;
	s1 =	sshll.u32 s1, $0x11  }
0xbd: {  	s0 =	sor.u32 s1, s0  }
0xbe: {  	s0 =	sadd.s32 $0x8F2B, s0  }
0xbf: {  	[sflag:s0] =	ssyncadd.remote.s32 $0x1  }
0xc0: {  	_ =	sfence.sel $0xFFFF  }
0xc1: {  	[dreg:$0x0] =	wrdreg $0xFFFFFFFF;
	(pc) =	sbr.abs _section_cstart, $3  }
0xc2: {  	[dreg:$0x1] =	wrdreg $0xFFFFFFFF  }
0xc3: {  	_ =	task.clear_ibuf [dreg:s7], $0x2FFFF;
	_ =	strace $0x9FFFFFFF  }
0xc4: {  	(tm) =	ssettm $0x7FFFFFFF  }
0xc5: {  	_ =	shalt  }
tec
execute0_lowered:
.L_overlay_start_1:
0x0: {  	(tag) =	ssettag $0x1  }
0x1: {  	s0 =	rddreg [dreg:$0x0]  }
0x2: {  	s12 =	rddreg [dreg:$0x1]  }
0x3: {  	s3 =	rddreg [dreg:$0x2]  }
0x4: {  	s1 =	srdreg.scid;
	s4 =	rddreg [dreg:$0x3];
	s5 =	simm.s32 $0x0  }
0x5: {  	s17 =	simm.s32 $0x17A00;
	s18 =	simm.s32 $0x50;
	s19 =	simm.s32 $0x4E20  }
0x6: {  	s20 =	simm.s32 $0x1;
	s21 =	simm.s32 $0x7620;
	s22 =	simm.s32 $0x1D6A0  }
0x7: {  	s23 =	simm.s32 $0x2;
	s9 =	sand.u32 $0x1, s1;
	s1 =	stileid.u32  }
0x8: {  	s24 =	simm.s32 $0x4DD0;
	s25 =	simm.s32 $0x0;
	s7 =	smul.u32 $0x278, s1  }
0x9: {  	[smem:$0x7FF] =	sst s5;
	s2 =	sshll.u32 s9, $0x4;
	s8 =	smul.u32 $0x138800, s9  }
0xa: {  	s30 =	ssub.s32 $0x2, s9;
	s15 =	smul.u32 $0x3E8, s1;
	s31 =	sshll.u32 s1, $0x6  }
0xb: {  	p0 =	seq.s32 s9, $0x1;
	s6 =	sor.u32 s1, s2;
	s2 =	rddreg [dreg:$0x4]  }
0xc: {  	_ =	strace $0x80000047;
	s14 =	sshrl.u32 s30, $0x1;
	s17 =	simm.s32 @!p0 $0x17400  }
0xd: {  	p0 =	sgt.u32 s1, $0x9;
	s6 =	smul.u32 $0x4E2, s6;
	s7 =	smin.u32 s7, $0x2498  }
0xe: {  	s14 =	ssub.s32 s30, s14;
	s9 =	sadd.s32 s15, s4;
	s15 =	sshrl.u32 s15, $0x3  }
0xf: {  	s17 =	sadd.s32 s17, s12;
	s10 =	sshll.u32 s7, $0x7;
	s11 =	sadd.s32 s6, s12  }
0x10: {  	s7 =	sadd.s32 s8, s10;
	s6 =	sadd.s32 $0x14C00, s12;
	s16 =	sadd.s32 s10, s3  }
0x11: {  	s8 =	sor.u32 $0x1C03, s31;
	s13 =	sshrl.u32 s7, $0x3;
	s7 =	sadd.s32 $0x14A00, s12  }
0x12: {  	s10 =	sadd.s32 $0xAC00, s11;
	s11 =	sadd.s32 $0xE00, s11;
	s13 =	sadd.s32 s13, s12  }
0x13: {  	s12 =	sadd.s32 $0x18000, s13;
	s13 =	smax.u32 s14, $0x1;
	s14 =	sadd.s32 s17, s15  }
0x14: {  	v0 =	vimm.f32 $1.000000000e+00;
	s15 =	sshrl.u32 s16, $0x3;
	s16 =	simm.s32 $0x3;
	s17 =	simm.s32 $0x2710  }
.LBB2_1:
0x15: {  	[spmem:s15], [sflag:s8] =	dma.local [hbm:s6], $0x2780  }
0x16: {  	_ =	swait.ge [sflag:s16], $0x2780  }
0x17: {  	[sflag:s16] =	ssyncset.done $0x0  }
0x18: {  	s26 =	simm.s32 @!p0 $0x0;
	s28 =	simm.s32 @!p0 $0x1D968;
	[sflag:s16] =	ssyncadd.s32 $0xFFFFD880  }
0x19: {  	[tilespmem:s28], [sflag:$0x3] =	stream.linear.gather @!p0 [hbm4b:s7+s26], $0x3E8, $0x38;
	[tilespmem:$0x1DD50] =	vst v63  }
0x1a: {  	s26 =	simm.s32 @!p0 $0x3  }
0x1b: {  	_ =	swait.ge @!p0 [sflag:s26], $0x3E8  }
0x1c: {  	[sflag:s26] =	ssyncset.done @!p0 $0x0  }
0x1d: {  	[sflag:s26] =	ssyncadd.s32 @!p0 $0xFFFFFC18  }
0x1e: {  	[spmem:s9] =	stream.linear.scatter @!p0 [tilespmem:s28], [sflag:$0x3], $0x3E8, $0x38;
	[tilespmem:$0x1DD50] =	vst v63  }
0x1f: {  	_ =	swait.ge @!p0 [sflag:s26], $0x3E8  }
0x20: {  	[sflag:s26] =	ssyncset.done @!p0 $0x0  }
0x21: {  	[sflag:s26] =	ssyncadd.s32 @!p0 $0xFFFFFC18  }
0x22: {  	[tilespmem:$0x1D6A0] =	vst v0  }
0x23: {  	[tilespmem:$0x1D6B0] =	vst v0  }
0x24: {  	[tilespmem:$0x1D6C0] =	vst v0  }
0x25: {  	[tilespmem:$0x1D6D0] =	vst v0  }
0x26: {  	[tilespmem:$0x1D6E0] =	vst v0  }
0x27: {  	[bflag:$0x0] =	sbarrier.arrive $0xFFFF  }
0x28: {  	[tilespmem:s5], [sflag:$0x3] =	stream.linear.gather [hbm4b:s10+s5], $0x2710, $0x38;
	[tilespmem:$0x1DD50] =	vst v63  }
0x29: {  	_ =	swait.ge [sflag:s16], $0x2710  }
0x2a: {  	[sflag:s16] =	ssyncset.done $0x0  }
0x2b: {  	[sflag:s16] =	ssyncadd.s32 $0xFFFFD8F0  }
0x2c: {  	[tilespmem:s17], [sflag:$0x3] =	stream.linear.gather [hbm4b:s11+s5], $0x2710, $0x38;
	[tilespmem:$0x1DD50] =	vst v63  }
0x2d: {  	_ =	swait.ge [sflag:s16], $0x2710  }
0x2e: {  	[sflag:s16] =	ssyncset.done $0x0  }
0x2f: {  	[sflag:s16] =	ssyncadd.s32 $0xFFFFD8F0  }
0x30: {  	[tilespmem:s19], [sflag:$0x1] =	stream.indirect.gather [hbm4b:s0+s18], $0x80, s5, s18, $0xb8;
	[tilespmem:$0x1DD50] =	vst v63  }
0x31: {  	_ =	swait.ge [sflag:s20], $0x2800  }
0x32: {  	[sflag:s20] =	ssyncset.done $0x0  }
0x33: {  	s28 =	simm.s32 $0x50;
	[sflag:s20] =	ssyncadd.s32 $0xFFFFD800  }
0x34: {  	[tilespmem:s21], [sflag:$0x2] =	stream.indirect.gather [hbm4b:s0+s18], $0x80, s28, s18, $0xb8;
	[tilespmem:$0x1DD50] =	vst v63  }
0x35: {  	s29 =	simm.s32 $0x2710  }
0x36: {  	[spmem:s3] =	stream.indirect.scatter.add.f32 [tilespmem:s19], [sflag:$0x3], $0x80, s29, s18, $0xb8;
	[tilespmem:$0x1DD50] =	vst v63  }
0x37: {  	_ =	swait.ge [sflag:s16], $0x2800  }
0x38: {  	[sflag:s16] =	ssyncset.done $0x0  }
0x39: {  	[sflag:s16] =	ssyncadd.s32 $0xFFFFD800  }
0x3a: {  	[spmem:s4] =	stream.indirect.scatter.add.f32 [tilespmem:s22], [sflag:$0x3], $0x1, s29, s18, $0xb8;
	[tilespmem:$0x1DD50] =	vst v63  }
0x3b: {  	_ =	swait.ge [sflag:s16], $0x50  }
0x3c: {  	[sflag:s16] =	ssyncset.done $0x0  }
0x3d: {  	[sflag:s16] =	ssyncadd.s32 $0xFFFFFFB0  }
0x3e: {  	_ =	swait.ge [sflag:s23], $0x2800  }
0x3f: {  	[sflag:s23] =	ssyncset.done $0x0  }
0x40: {  	s30 =	simm.s32 $0xA0;
	[sflag:s23] =	ssyncadd.s32 $0xFFFFD800  }
0x41: {  	[tilespmem:s19], [sflag:$0x1] =	stream.indirect.gather [hbm4b:s0+s18], $0x80, s30, s18, $0xb8;
	[tilespmem:$0x1DD50] =	vst v63  }
0x42: {  	s31 =	simm.s32 $0x2760  }
0x43: {  	[spmem:s3] =	stream.indirect.scatter.add.f32 [tilespmem:s21], [sflag:$0x3], $0x80, s31, s18, $0xb8;
	[tilespmem:$0x1DD50] =	vst v63  }
0x44: {  	_ =	swait.ge [sflag:s16], $0x2800  }
0x45: {  	[sflag:s16] =	ssyncset.done $0x0  }
0x46: {  	[sflag:s16] =	ssyncadd.s32 $0xFFFFD800  }
0x47: {  	[spmem:s4] =	stream.indirect.scatter.add.f32 [tilespmem:s22], [sflag:$0x3], $0x1, s31, s18, $0xb8;
	[tilespmem:$0x1DD50] =	vst v63  }
0x48: {  	_ =	swait.ge [sflag:s16], $0x50  }
0x49: {  	s26 =	simm.s32 $0x280;
	[sflag:s16] =	ssyncset.done $0x0  }
.LBB2_2:
0x4a: {  	p1 =	sne.s32 s26, $0x9880  }
0x4b: {  	[sflag:s16] =	ssyncadd.s32 $0xFFFFFFB0;
	s28 =	smov.u32 s26;
	s26 =	sadd.s32 $0x280, s26  }
0x4c: {  	_ =	swait.ge [sflag:s20], $0x2800  }
0x4d: {  	s28 =	sshra.s32 s28, $0x2;
	[sflag:s20] =	ssyncset.done $0x0  }
0x4e: {  	s29 =	sadd.s32 $0x50, s28;
	[sflag:s20] =	ssyncadd.s32 $0xFFFFD800  }
0x4f: {  	[tilespmem:s21], [sflag:$0x2] =	stream.indirect.gather [hbm4b:s0+s18], $0x80, s29, s18, $0xb8;
	[tilespmem:$0x1DD50] =	vst v63  }
0x50: {  	s29 =	sadd.s32 $0x2710, s28  }
0x51: {  	[spmem:s3] =	stream.indirect.scatter.add.f32 [tilespmem:s19], [sflag:$0x3], $0x80, s29, s18, $0xb8;
	[tilespmem:$0x1DD50] =	vst v63  }
0x52: {  	_ =	swait.ge [sflag:s16], $0x2800  }
0x53: {  	[sflag:s16] =	ssyncset.done $0x0  }
0x54: {  	[sflag:s16] =	ssyncadd.s32 $0xFFFFD800  }
0x55: {  	[spmem:s4] =	stream.indirect.scatter.add.f32 [tilespmem:s22], [sflag:$0x3], $0x1, s29, s18, $0xb8;
	[tilespmem:$0x1DD50] =	vst v63  }
0x56: {  	_ =	swait.ge [sflag:s16], $0x50  }
0x57: {  	[sflag:s16] =	ssyncset.done $0x0  }
0x58: {  	[sflag:s16] =	ssyncadd.s32 $0xFFFFFFB0  }
0x59: {  	_ =	swait.ge [sflag:s23], $0x2800  }
0x5a: {  	[sflag:s23] =	ssyncset.done $0x0  }
0x5b: {  	s29 =	sadd.s32 $0xA0, s28;
	[sflag:s23] =	ssyncadd.s32 $0xFFFFD800  }
0x5c: {  	[tilespmem:s19], [sflag:$0x1] =	stream.indirect.gather [hbm4b:s0+s18], $0x80, s29, s18, $0xb8;
	[tilespmem:$0x1DD50] =	vst v63  }
0x5d: {  	s28 =	sadd.s32 $0x2760, s28  }
0x5e: {  	[spmem:s3] =	stream.indirect.scatter.add.f32 [tilespmem:s21], [sflag:$0x3], $0x80, s28, s18, $0xb8;
	[tilespmem:$0x1DD50] =	vst v63  }
0x5f: {  	_ =	swait.ge [sflag:s16], $0x2800  }
.Ltmp0:
0x60: {  	[sflag:s16] =	ssyncset.done $0x0;
	(pc) =	sbr.rel @p1 .LBB2_2-.Ltmp0, $4  }
0x61: {  	[sflag:s16] =	ssyncadd.s32 $0xFFFFD800  }
0x62: {  	[spmem:s4] =	stream.indirect.scatter.add.f32 [tilespmem:s22], [sflag:$0x3], $0x1, s28, s18, $0xb8;
	[tilespmem:$0x1DD50] =	vst v63  }
0x63: {  	_ =	swait.ge [sflag:s16], $0x50  }
0x64: {  	[sflag:s16] =	ssyncset.done $0x0  }
0x65: {  	[sflag:s16] =	ssyncadd.s32 $0xFFFFFFB0  }
0x66: {  	_ =	swait.ge [sflag:s20], $0x2800  }
0x67: {  	[sflag:s20] =	ssyncset.done $0x0  }
0x68: {  	[sflag:s20] =	ssyncadd.s32 $0xFFFFD800  }
0x69: {  	[spmem:s3] =	stream.indirect.scatter.add.f32 [tilespmem:s19], [sflag:$0x3], $0x80, s24, s18, $0xb8;
	[tilespmem:$0x1DD50] =	vst v63  }
0x6a: {  	_ =	swait.ge [sflag:s16], $0x2800  }
0x6b: {  	[sflag:s16] =	ssyncset.done $0x0  }
0x6c: {  	[sflag:s16] =	ssyncadd.s32 $0xFFFFD800  }
0x6d: {  	[spmem:s4] =	stream.indirect.scatter.add.f32 [tilespmem:s22], [sflag:$0x3], $0x1, s24, s18, $0xb8;
	[tilespmem:$0x1DD50] =	vst v63  }
0x6e: {  	_ =	swait.ge [sflag:s16], $0x50  }
0x6f: {  	[sflag:s16] =	ssyncset.done $0x0  }
0x70: {  	[sflag:s16] =	ssyncadd.s32 $0xFFFFFFB0  }
0x71: {  	[bflag:$0x0] =	sbarrier.arrive $0xFFFF  }
0x72: {  	[hbm:s12], [sflag:s8] =	dma.local [spmem:s15], $0x2780  }
0x73: {  	_ =	swait.ge [sflag:s16], $0x2780  }
0x74: {  	[sflag:s16] =	ssyncset.done $0x0  }
0x75: {  	s26 =	simm.s32 @!p0 $0x1D968;
	s28 =	simm.s32 @!p0 $0x3;
	[sflag:s16] =	ssyncadd.s32 $0xFFFFD880  }
0x76: {  	[tilespmem:s26], [sflag:$0x3] =	stream.linear.gather @!p0 [spmem:s9], $0x3E8, $0x38;
	[tilespmem:$0x1DD50] =	vst v63  }
0x77: {  	s25 =	sadd.s32 $0x1, s25;
	_ =	swait.ge @!p0 [sflag:s28], $0x3E8  }
0x78: {  	p1 =	sne.s32 s25, s13;
	[sflag:s28] =	ssyncset.done @!p0 $0x0  }
.Ltmp1:
0x79: {  	s29 =	simm.s32 @!p0 $0x0;
	[sflag:s28] =	ssyncadd.s32 @!p0 $0xFFFFFC18;
	(pc) =	sbr.rel @p1 .LBB2_1-.Ltmp1, $4  }
0x7a: {  	[hbm4b:s14+s29] =	stream.linear.scatter @!p0 [tilespmem:s26], [sflag:$0x3], $0x3E8, $0x38;
	[tilespmem:$0x1DD50] =	vst v63  }
0x7b: {  	_ =	swait.ge @!p0 [sflag:s28], $0x3E8  }
0x7c: {  	[sflag:s28] =	ssyncset.done @!p0 $0x0  }
0x7d: {  	[sflag:s28] =	ssyncadd.s32 @!p0 $0xFFFFFC18  }
0x7e: {  	_ =	sfence.sel $0x180000  }
0x7f: {  	[bflag:$0x0] =	sbarrier.arrive $0xFFFF  }
0x80: {  	p0 =	sne.s32 s1, $0x0;
	_ =	strace $0x90000047  }
0x81: {  	s0 =	sadd.s32 @!p0 $0x100000, s2;
	[bflag:$0x2] =	sbarrier.arrive $0xFFFF  }
0x82: {  	[sflag:s0] =	ssyncadd.tile.s32 @!p0 $0x1;
	_ =	shalt  }
.Lfunc_end2:
_tile_overlayer_lowered:
.L_overlay_start_2:
0x83: {  	(tag) =	ssettag $0x2  }
0x84: {  	s0 =	rddreg [dreg:$0x0];
	s2 =	stileid.u32  }
0x85: {  	s1 =	rddreg [dreg:$0x1];
	p0 =	sne.s32 s2, $0x0  }
0x86: {  	s3 =	rddreg [dreg:$0x2];
	[bflag:$0x3] =	sbarrier.arrive $0xFFFF;
	s2 =	simm.s32 @!p0 $0x1C03  }
0x87: {  	[timem:s3], [sflag:s2] =	dma.local @!p0 [hbm:s0], s1  }
0x88: {  	s0 =	simm.s32 @!p0 $0x3  }
0x89: {  	_ =	swait.ge @!p0 [sflag:s0], s1  }
0x8a: {  	s1 =	ssub.s32 @!p0 $0x0, s1;
	[sflag:s0] =	ssyncset.done @!p0 $0x0  }
0x8b: {  	[sflag:s0] =	ssyncadd.s32 @!p0 s1  }
0x8c: {  	[bflag:$0x3] =	sbarrier.arrive $0xFFFF  }
0x8d: {  	_ =	shalt  }

// kernel: kernel.9.cloned.1.call-start
scs
__scs_entry_jumppad:
0x0: {  	(pc) =	sbr.rel $0x88, $3  }
0x1: {  	(tag) =	ssettag $0x0;
	lr =	simm.s32 $0x1  }
0x2: {  	[smem:$0x3F93] =	sst lr;
	_ =	strace $0xD0000000  }
0x3: {  	_ = 	snop  }
0x4: {  	_ = 	snop  }
0x5: {  	_ = 	snop  }
0x6: {  	_ = 	snop  }
0x7: {  	_ = 	snop  }
__scs_overlays_trampoline_lowered:
0x8: {  	[smem:$0x3FA2] =	sst s0  }
0x9: {  	[smem:$0x3FA3] =	sst s1  }
0xa: {  	[smem:$0x3FA4] =	sst s2  }
0xb: {  	[smem:$0x3FA5] =	sst s3  }
0xc: {  	[smem:$0x3FA6] =	sst s4  }
0xd: {  	[smem:$0x3FA7] =	sst s5  }
0xe: {  	[smem:$0x3FA8] =	sst s6  }
0xf: {  	[smem:$0x3FA9] =	sst s7  }
0x10: {  	[smem:$0x3FAA] =	sst s8  }
0x11: {  	[smem:$0x3FAB] =	sst s9;
	s0 =	simm.s32 @!p0 $0x0  }
0x12: {  	s1 =	sld [smem:$0x3F91];
	s0 =	simm.s32 @p0 $0x1  }
0x13: {  	[smem:$0x3FAC] =	sst s0;
	s0 =	simm.s32 @!p1 $0x0  }
0x14: {  	s2 =	sld [smem:$0x3F90];
	s0 =	simm.s32 @p1 $0x1  }
0x15: {  	[smem:$0x3FAD] =	sst s0;
	s0 =	simm.s32 @!p2 $0x0  }
0x16: {  	s3 =	sld [smem:$0x3FDB];
	s0 =	simm.s32 @p2 $0x1  }
0x17: {  	s4 =	simm.s32 $0x1BF5;
	[smem:$0x3FAF] =	sst s0  }
0x18: {  	s0 =	sld [smem:$0x3F92];
	_ =	swait.ge [sflag:s4], $0x0  }
0x19: {  	s7 =	sld [smem:$0x3F93]  }
0x1a: {  	s8 =	sadd.s32 $0xFFFFE003, lr  }
0x1b: {  	s9 =	sadd.s32 $0xFFFFFEF7, lr;
	s5 =	simm.s32 $0xFFFFFFFF;
	p2 =	slt.u32 s8, $0xFFFFF086  }
0x1c: {  	p1 =	slt.u32 s9, $0xF7A;
	s5 =	simm.s32 @!p2 $0x0  }
0x1d: {  	s5 =	simm.s32 @p1 $0x1;
	p0 =	seq.s32 s7, s2  }
0x1e: {  	s7 =	smul.u32 @!p0 $0xF7A, s2;
	p2 =	seq.s32 @!p0 s5, $0x0  }
0x1f: {  	s9 =	smul.u32 $0xF7A, s1;
	s8 =	simm.s32 @!p0 $0x1BF5;
	p2 =	por !p2, p0  }
0x20: {  	[sflag:s8] =	ssyncset.s32 @!p0 $0xFFFFF086;
	s6 =	sadd.s32 @!p0 s3, s7;
	s7 =	simm.s32 @!p0 $0x108  }
0x21: {  	s3 =	sadd.s32 s3, s9;
	s6 =	sadd.s32 @!p0 $0x88, s6;
	s7 =	simm.s32 @p2 $0x1082  }
0x22: {  	[simem:s7], [sflag:s8] =	dma.local @!p0 [hbm:s6], $0xF7A  }
0x23: {  	s9 =	sor.u32 $0xD0000000, s2;
	s6 =	simm.s32 $0x108;
	_ =	swait.ge @!p0 [sflag:s8], $0x0  }
0x24: {  	s3 =	sadd.s32 $0x88, s3;
	s6 =	simm.s32 @!p1 $0x1082;
	[sflag:s4] =	ssyncset.s32 $0xFFFFF086  }
0x25: {  	[simem:s6], [sflag:s4] =	dma.local [hbm:s3], $0xF7A  }
0x26: {  	[smem:$0x3F93] =	sst s1;
	(tag) =	ssettag s2;
	_ =	strace s9  }
0x27: {  	s1 =	sld [smem:$0x3FA3]  }
0x28: {  	s2 =	sld [smem:$0x3FA4]  }
0x29: {  	s4 =	sld [smem:$0x3FA6]  }
0x2a: {  	p0 =	seq.s32 s5, $0x0;
	s5 =	sld [smem:$0x3FA7]  }
0x2b: {  	s6 =	sld [smem:$0x3FA8]  }
0x2c: {  	s7 =	sld [smem:$0x3FA9]  }
0x2d: {  	s3 =	simm.s32 $0x108;
	s8 =	sld [smem:$0x3FAA]  }
0x2e: {  	s3 =	simm.s32 @!p0 $0x1082;
	s9 =	sld [smem:$0x3FAB]  }
0x2f: {  	lr =	sadd.s32 s0, s3;
	s0 =	sld [smem:$0x3FA2]  }
0x30: {  	s3 =	sld [smem:$0x3FA5]  }
0x31: {  	[smem:$0x3FAE] =	sst s10  }
0x32: {  	s10 =	sld [smem:$0x3FAC];
	_ =	sdelay $0x3  }
0x33: {  	p0 =	seq.s32 s10, $0x1;
	s10 =	sld [smem:$0x3FAE];
	_ =	sdelay $0x3  }
0x34: {  	[smem:$0x3FAE] =	sst s10  }
0x35: {  	s10 =	sld [smem:$0x3FAD];
	_ =	sdelay $0x3  }
0x36: {  	p1 =	seq.s32 s10, $0x1;
	s10 =	sld [smem:$0x3FAE];
	_ =	sdelay $0x3  }
0x37: {  	[smem:$0x3FAE] =	sst s10  }
0x38: {  	s10 =	sld [smem:$0x3FAF]  }
0x39: {  	_ = 	snop;
	(pc) =	sbr.ind lr, $3  }
0x3a: {  	_ = 	snop  }
0x3b: {  	_ = 	snop  }
0x3c: {  	p2 =	seq.s32 s10, $0x1;
	s10 =	sld [smem:$0x3FAE]  }
0x3d: {  	_ =	shalt  }
0x3e: {  	_ =	shalt  }
0x3f: {  	_ =	shalt  }
0x40: {  	_ =	shalt  }
0x41: {  	_ =	shalt  }
0x42: {  	_ =	shalt  }
0x43: {  	_ =	shalt  }
0x44: {  	_ =	shalt  }
0x45: {  	_ =	shalt  }
0x46: {  	_ =	shalt  }
0x47: {  	_ =	shalt  }
0x48: {  	_ =	shalt  }
0x49: {  	_ =	shalt  }
0x4a: {  	_ =	shalt  }
0x4b: {  	_ =	shalt  }
0x4c: {  	_ =	shalt  }
0x4d: {  	_ =	shalt  }
0x4e: {  	_ =	shalt  }
0x4f: {  	_ =	shalt  }
0x50: {  	_ =	shalt  }
0x51: {  	_ =	shalt  }
0x52: {  	_ =	shalt  }
0x53: {  	_ =	shalt  }
0x54: {  	_ =	shalt  }
0x55: {  	_ =	shalt  }
0x56: {  	_ =	shalt  }
0x57: {  	_ =	shalt  }
0x58: {  	_ =	shalt  }
0x59: {  	_ =	shalt  }
0x5a: {  	_ =	shalt  }
0x5b: {  	_ =	shalt  }
0x5c: {  	_ =	shalt  }
0x5d: {  	_ =	shalt  }
0x5e: {  	_ =	shalt  }
0x5f: {  	_ =	shalt  }
0x60: {  	_ =	shalt  }
0x61: {  	_ =	shalt  }
0x62: {  	_ =	shalt  }
0x63: {  	_ =	shalt  }
0x64: {  	_ =	shalt  }
0x65: {  	_ =	shalt  }
0x66: {  	_ =	shalt  }
0x67: {  	_ =	shalt  }
0x68: {  	_ =	shalt  }
0x69: {  	_ =	shalt  }
0x6a: {  	_ =	shalt  }
0x6b: {  	_ =	shalt  }
0x6c: {  	_ =	shalt  }
0x6d: {  	_ =	shalt  }
0x6e: {  	_ =	shalt  }
0x6f: {  	_ =	shalt  }
0x70: {  	_ =	shalt  }
0x71: {  	_ =	shalt  }
0x72: {  	_ =	shalt  }
0x73: {  	_ =	shalt  }
0x74: {  	_ =	shalt  }
0x75: {  	_ =	shalt  }
0x76: {  	_ =	shalt  }
0x77: {  	_ =	shalt  }
0x78: {  	_ =	shalt  }
0x79: {  	_ =	shalt  }
0x7a: {  	_ =	shalt  }
0x7b: {  	_ =	shalt  }
0x7c: {  	_ =	shalt  }
0x7d: {  	_ =	shalt  }
0x7e: {  	_ =	shalt  }
0x7f: {  	_ =	shalt  }
0x80: {  	_ =	shalt  }
0x81: {  	_ =	shalt  }
0x82: {  	_ =	shalt  }
0x83: {  	_ =	shalt  }
0x84: {  	_ =	shalt  }
0x85: {  	_ =	shalt  }
0x86: {  	_ =	shalt  }
0x87: {  	_ =	shalt  }
.Lfunc_end0:
.L_simem_size_0:
called_computation.1_lowered:
.L_overlay_start_0:
0x88: {  	s2 =	sld [smem:$0x3FD9]  }
0x89: {  	s3 =	sld [smem:$0x3FFE];
	_ =	sdelay $0x1  }
0x8a: {  	s1 =	srdreg.scid  }
0x8b: {  	s0 =	sand.u32 $0x1, s1  }
0x8c: {  	s16 =	sshll.u32 s0, $0xA;
	s2 =	sadd.s32 s3, s2  }
0x8d: {  	s2 =	sadd.s32 s2, s16  }
0x8e: {  	[smem:$0x3FBA] =	sst s2  }
0x8f: {  	_ = 	snop  }
0x90: {  	(tm) =	ssettm $0x1  }
0x91: {  	s17 =	sld [smem:$0x3FFB];
	_ =	sdelay $0x3  }
0x92: {  	_ =	strace s17  }
0x93: {  	s2 =	sld [smem:$0x3FFC];
	_ =	sdelay $0x3  }
0x94: {  	_ =	strace s2  }
0x95: {  	s2 =	sld [smem:$0x3FFD];
	_ =	sdelay $0x3  }
0x96: {  	_ =	strace s2  }
0x97: {  	_ =	strace $0x8FFFFFFF  }
0x98: {  	s18 =	sld [smem:$0x3FDB];
	_ =	sdelay $0x1  }
0x99: {  	s19 =	simm.s32 $_scs_section_size  }
0x9a: {  	s4 =	simm.s32 $_size__tile_overlayer_lowered;
	s5 =	simm.s32 $_tile_overlayer_lowered  }
0x9b: {  	s22 =	simm.s32 $0x1BFF;
	s21 =	sshll.u32 s5, $0x1;
	s2 =	sadd.s32 s19, s18  }
0x9c: {  	s6 =	simm.s32 $0x0;
	s20 =	sshll.u32 s4, $0x1;
	s4 =	sadd.s32 s21, s2  }
0x9d: {  	[timem:s6], [sflag:s22] =	dma.local [hbm:s4], s20  }
0x9e: {  	_ =	swait.ge [sflag:s22], s20  }
0x9f: {  	s3 =	ssub.s32 $0x0, s20;
	[sflag:s22] =	ssyncset.done $0x0  }
0xa0: {  	[sflag:s22] =	ssyncadd.s32 s3;
	_ =	sdelay $0x1  }
0xa1: {  	s23 =	simm.s32 $0x1B8B  }
0xa2: {  	_ =	swait.ge [sflag:s23], $0x1  }
0xa3: {  	[sflag:s23] =	ssyncset.done $0x0  }
0xa4: {  	s25 =	simm.s32 $0x1B8E;
	s24 =	sld [smem:$0x3FFE];
	[sflag:s23] =	ssyncadd.s32 $0xFFFFFFFF  }
0xa5: {  	s26 =	simm.s32 $execute0_lowered;
	[smem:$0x3FD2] =	sst s25  }
0xa6: {  	s4 =	sshll.u32 s26, $0x1;
	_ =	strace $0x80000049;
	[dreg:$0x1] =	wrdreg $0xFFFFFFFF  }
0xa7: {  	s28 =	simm.s32 $_size_execute0_lowered;
	s2 =	sadd.s32 s2, s4;
	[dreg:$0x0] =	wrdreg $0x0  }
0xa8: {  	s4 =	sshll.u32 s28, $0x1;
	[dreg:$0x2] =	wrdreg s2  }
0xa9: {  	[dreg:$0x3] =	wrdreg s4  }
0xaa: {  	[dreg:$0x4] =	wrdreg $0xC0  }
0xab: {  	_ =	task [dreg:s6], $0x5FFFF  }
0xac: {  	[dreg:$0x1] =	wrdreg $0xFFFFFFFF  }
0xad: {  	[dreg:$0x0] =	wrdreg $0x60  }
0xae: {  	[dreg:$0x2] =	wrdreg s24  }
0xaf: {  	[dreg:$0x3] =	wrdreg $0x76200  }
0xb0: {  	[dreg:$0x4] =	wrdreg $0x9  }
0xb1: {  	_ =	task.clear_ibuf [dreg:s6], $0x5FFFF;
	_ =	strace $0x90000049  }
0xb2: {  	s29 =	simm.s32 $0x9;
	_ =	strace $0x8000004B  }
0xb3: {  	_ =	swait.ge [sflag:s29], $0x1  }
0xb4: {  	[sflag:s29] =	ssyncadd.s32 $0xFFFFFFFF  }
0xb5: {  	_ =	strace $0x9000004B  }
0xb6: {  	_ =	sfence  }
0xb7: {  	s30 =	sld [smem:$0x0];
	_ =	sdelay $0x2  }
0xb8: {  	s31 =	sshll.u32 s1, $0xD;
	s1 =	sshrl.u32 s1, $0x2  }
0xb9: {  	s3 =	sand.u32 $0x4000, s31;
	s1 =	sadd.s32 s1, s30  }
0xba: {  	s0 =	sor.u32 s3, s0;
	s1 =	sshll.u32 s1, $0x11  }
0xbb: {  	s0 =	sor.u32 s1, s0  }
0xbc: {  	s0 =	sadd.s32 $0x8F2B, s0  }
0xbd: {  	[sflag:s0] =	ssyncadd.remote.s32 $0x1  }
0xbe: {  	_ =	sfence.sel $0xFFFF  }
0xbf: {  	[dreg:$0x0] =	wrdreg $0xFFFFFFFF;
	(pc) =	sbr.abs _section_cstart, $3  }
0xc0: {  	[dreg:$0x1] =	wrdreg $0xFFFFFFFF  }
0xc1: {  	_ =	task.clear_ibuf [dreg:s6], $0x2FFFF;
	_ =	strace $0x9FFFFFFF  }
0xc2: {  	(tm) =	ssettm $0x7FFFFFFF  }
0xc3: {  	_ =	shalt  }
tec
execute0_lowered:
.L_overlay_start_1:
0x0: {  	(tag) =	ssettag $0x1  }
0x1: {  	s6 =	rddreg [dreg:$0x0]  }
0x2: {  	s1 =	srdreg.scid;
	s0 =	stileid.u32  }
0x3: {  	s2 =	rddreg [dreg:$0x1];
	s3 =	simm.s32 $0x0;
	s14 =	simm.s32 $0x50  }
0x4: {  	s15 =	simm.s32 $0x4E20;
	s16 =	simm.s32 $0x1;
	s17 =	simm.s32 $0x6220  }
0x5: {  	s18 =	simm.s32 $0x2;
	s19 =	simm.s32 $0x4DD0;
	s20 =	simm.s32 $0x0  }
0x6: {  	s5 =	sand.u32 $0x1, s1;
	s4 =	smul.u32 $0x278, s0;
	s1 =	rddreg [dreg:$0x2]  }
0x7: {  	[smem:$0x7FF] =	sst s3;
	s31 =	sshll.u32 s0, $0x6;
	s7 =	sshll.u32 s5, $0x4  }
0x8: {  	s8 =	smul.u32 $0x9C400, s5;
	_ =	strace $0x8000004A;
	s29 =	ssub.s32 $0x2, s5  }
0x9: {  	s5 =	sadd.s32 $0x28600, s6;
	s7 =	sor.u32 s0, s7;
	s4 =	smin.u32 s4, $0x2498  }
0xa: {  	s30 =	sshrl.u32 s29, $0x1;
	s7 =	smul.u32 $0x4E2, s7;
	s9 =	sshll.u32 s4, $0x6  }
0xb: {  	s4 =	sadd.s32 $0x14C00, s6;
	s12 =	ssub.s32 s29, s30;
	s8 =	sadd.s32 s8, s9  }
0xc: {  	s13 =	sadd.s32 s9, s2;
	s10 =	sadd.s32 s7, s6;
	s28 =	sshrl.u32 s8, $0x3  }
0xd: {  	s11 =	sadd.s32 s28, s6;
	s6 =	sor.u32 $0x1C03, s31;
	s7 =	sadd.s32 $0xAC00, s10  }
0xe: {  	s8 =	sadd.s32 $0xE00, s10;
	s10 =	smax.u32 s12, $0x1;
	s12 =	simm.s32 $0x3  }
0xf: {  	s9 =	sadd.s32 $0x29A00, s11;
	s11 =	sshrl.u32 s13, $0x3;
	s13 =	simm.s32 $0x2710  }
.LBB2_1:
0x10: {  	[spmem:s11], [sflag:s6] =	dma.local [hbm:s5], $0x13C0  }
0x11: {  	_ =	swait.ge [sflag:s12], $0x13C0  }
0x12: {  	[sflag:s12] =	ssyncset.done $0x0  }
0x13: {  	[sflag:s12] =	ssyncadd.s32 $0xFFFFEC40  }
0x14: {  	[bflag:$0x0] =	sbarrier.arrive $0xFFFF  }
0x15: {  	[tilespmem:s3], [sflag:$0x3] =	stream.linear.gather [hbm4b:s7+s3], $0x2710, $0x38;
	[tilespmem:$0x11260] =	vst v63  }
0x16: {  	_ =	swait.ge [sflag:s12], $0x2710  }
0x17: {  	[sflag:s12] =	ssyncset.done $0x0  }
0x18: {  	[sflag:s12] =	ssyncadd.s32 $0xFFFFD8F0  }
0x19: {  	[tilespmem:s13], [sflag:$0x3] =	stream.linear.gather [hbm4b:s8+s3], $0x2710, $0x38;
	[tilespmem:$0x11260] =	vst v63  }
0x1a: {  	_ =	swait.ge [sflag:s12], $0x2710  }
0x1b: {  	[sflag:s12] =	ssyncset.done $0x0  }
0x1c: {  	[sflag:s12] =	ssyncadd.s32 $0xFFFFD8F0  }
0x1d: {  	[tilespmem:s15], [sflag:$0x1] =	stream.indirect.gather [hbm4b:s4+s14], $0x40, s3, s14, $0xb8;
	[tilespmem:$0x11260] =	vst v63  }
0x1e: {  	_ =	swait.ge [sflag:s16], $0x1400  }
0x1f: {  	[sflag:s16] =	ssyncset.done $0x0  }
0x20: {  	s21 =	simm.s32 $0x50;
	[sflag:s16] =	ssyncadd.s32 $0xFFFFEC00  }
0x21: {  	[tilespmem:s17], [sflag:$0x2] =	stream.indirect.gather [hbm4b:s4+s14], $0x40, s21, s14, $0xb8;
	[tilespmem:$0x11260] =	vst v63  }
0x22: {  	s29 =	simm.s32 $0x2710  }
0x23: {  	[spmem:s2] =	stream.indirect.scatter.add.f32 [tilespmem:s15], [sflag:$0x3], $0x40, s29, s14, $0xb8;
	[tilespmem:$0x11260] =	vst v63  }
0x24: {  	_ =	swait.ge [sflag:s12], $0x1400  }
0x25: {  	[sflag:s12] =	ssyncset.done $0x0  }
0x26: {  	[sflag:s12] =	ssyncadd.s32 $0xFFFFEC00  }
0x27: {  	_ =	swait.ge [sflag:s18], $0x1400  }
0x28: {  	[sflag:s18] =	ssyncset.done $0x0  }
0x29: {  	s30 =	simm.s32 $0xA0;
	[sflag:s18] =	ssyncadd.s32 $0xFFFFEC00  }
0x2a: {  	[tilespmem:s15], [sflag:$0x1] =	stream.indirect.gather [hbm4b:s4+s14], $0x40, s30, s14, $0xb8;
	[tilespmem:$0x11260] =	vst v63  }
0x2b: {  	s31 =	simm.s32 $0x2760  }
0x2c: {  	[spmem:s2] =	stream.indirect.scatter.add.f32 [tilespmem:s17], [sflag:$0x3], $0x40, s31, s14, $0xb8;
	[tilespmem:$0x11260] =	vst v63  }
0x2d: {  	_ =	swait.ge [sflag:s12], $0x1400  }
0x2e: {  	s21 =	simm.s32 $0x280;
	[sflag:s12] =	ssyncset.done $0x0  }
.LBB2_2:
0x2f: {  	p0 =	sne.s32 s21, $0x9880  }
0x30: {  	[sflag:s12] =	ssyncadd.s32 $0xFFFFEC00;
	s22 =	smov.u32 s21;
	s21 =	sadd.s32 $0x280, s21  }
0x31: {  	_ = 	snop  }
0x32: {  	_ =	swait.ge [sflag:s16], $0x1400  }
0x33: {  	s22 =	sshra.s32 s22, $0x2;
	[sflag:s16] =	ssyncset.done $0x0  }
0x34: {  	s23 =	sadd.s32 $0x50, s22;
	[sflag:s16] =	ssyncadd.s32 $0xFFFFEC00  }
0x35: {  	[tilespmem:s17], [sflag:$0x2] =	stream.indirect.gather [hbm4b:s4+s14], $0x40, s23, s14, $0xb8;
	[tilespmem:$0x11260] =	vst v63  }
0x36: {  	s23 =	sadd.s32 $0x2710, s22  }
0x37: {  	[spmem:s2] =	stream.indirect.scatter.add.f32 [tilespmem:s15], [sflag:$0x3], $0x40, s23, s14, $0xb8;
	[tilespmem:$0x11260] =	vst v63  }
0x38: {  	_ =	swait.ge [sflag:s12], $0x1400  }
0x39: {  	[sflag:s12] =	ssyncset.done $0x0  }
0x3a: {  	[sflag:s12] =	ssyncadd.s32 $0xFFFFEC00  }
0x3b: {  	_ =	swait.ge [sflag:s18], $0x1400  }
0x3c: {  	[sflag:s18] =	ssyncset.done $0x0  }
0x3d: {  	s23 =	sadd.s32 $0xA0, s22;
	[sflag:s18] =	ssyncadd.s32 $0xFFFFEC00  }
0x3e: {  	[tilespmem:s15], [sflag:$0x1] =	stream.indirect.gather [hbm4b:s4+s14], $0x40, s23, s14, $0xb8;
	[tilespmem:$0x11260] =	vst v63  }
.Ltmp0:
0x3f: {  	_ = 	snop;
	(pc) =	sbr.rel @p0 .LBB2_2-.Ltmp0, $4  }
0x40: {  	s22 =	sadd.s32 $0x2760, s22  }
0x41: {  	[spmem:s2] =	stream.indirect.scatter.add.f32 [tilespmem:s17], [sflag:$0x3], $0x40, s22, s14, $0xb8;
	[tilespmem:$0x11260] =	vst v63  }
0x42: {  	_ =	swait.ge [sflag:s12], $0x1400  }
0x43: {  	[sflag:s12] =	ssyncset.done $0x0  }
0x44: {  	[sflag:s12] =	ssyncadd.s32 $0xFFFFEC00  }
0x45: {  	_ =	swait.ge [sflag:s16], $0x1400  }
0x46: {  	[sflag:s16] =	ssyncset.done $0x0  }
0x47: {  	[sflag:s16] =	ssyncadd.s32 $0xFFFFEC00  }
0x48: {  	[spmem:s2] =	stream.indirect.scatter.add.f32 [tilespmem:s15], [sflag:$0x3], $0x40, s19, s14, $0xb8;
	[tilespmem:$0x11260] =	vst v63  }
0x49: {  	_ =	swait.ge [sflag:s12], $0x1400  }
0x4a: {  	s20 =	sadd.s32 $0x1, s20;
	[sflag:s12] =	ssyncset.done $0x0  }
0x4b: {  	p0 =	sne.s32 s20, s10;
	[sflag:s12] =	ssyncadd.s32 $0xFFFFEC00  }
.Ltmp1:
0x4c: {  	[bflag:$0x0] =	sbarrier.arrive $0xFFFF;
	(pc) =	sbr.rel @p0 .LBB2_1-.Ltmp1, $4  }
0x4d: {  	[hbm:s9], [sflag:s6] =	dma.local [spmem:s11], $0x13C0  }
0x4e: {  	_ =	swait.ge [sflag:s12], $0x13C0  }
0x4f: {  	[sflag:s12] =	ssyncset.done $0x0  }
0x50: {  	[sflag:s12] =	ssyncadd.s32 $0xFFFFEC40  }
0x51: {  	_ =	sfence.sel $0x180000  }
0x52: {  	[bflag:$0x0] =	sbarrier.arrive $0xFFFF  }
0x53: {  	p0 =	sne.s32 s0, $0x0;
	_ =	strace $0x9000004A  }
0x54: {  	s0 =	sadd.s32 @!p0 $0x100000, s1;
	[bflag:$0x2] =	sbarrier.arrive $0xFFFF  }
0x55: {  	[sflag:s0] =	ssyncadd.tile.s32 @!p0 $0x1;
	_ =	shalt  }
.Lfunc_end2:
_tile_overlayer_lowered:
.L_overlay_start_2:
0x56: {  	(tag) =	ssettag $0x2  }
0x57: {  	s0 =	rddreg [dreg:$0x0];
	s2 =	stileid.u32  }
0x58: {  	s1 =	rddreg [dreg:$0x1];
	p0 =	sne.s32 s2, $0x0  }
0x59: {  	s3 =	rddreg [dreg:$0x2];
	[bflag:$0x3] =	sbarrier.arrive $0xFFFF;
	s2 =	simm.s32 @!p0 $0x1C03  }
0x5a: {  	[timem:s3], [sflag:s2] =	dma.local @!p0 [hbm:s0], s1  }
0x5b: {  	s0 =	simm.s32 @!p0 $0x3  }
0x5c: {  	_ =	swait.ge @!p0 [sflag:s0], s1  }
0x5d: {  	s1 =	ssub.s32 @!p0 $0x0, s1;
	[sflag:s0] =	ssyncset.done @!p0 $0x0  }
0x5e: {  	[sflag:s0] =	ssyncadd.s32 @!p0 s1  }
0x5f: {  	[bflag:$0x3] =	sbarrier.arrive $0xFFFF  }
0x60: {  	_ =	shalt  }

</sc_bundles>
